<compile_context>
chip_gen: v7x
topology: tpu7x:2x2x1
jax: 0.10.2.dev20260603
libtpu: 0.0.44.dev20260713+nightly
codegen_flags: <defaults>
</compile_context>

<pallas_src>
import functools

import jax
import jax.numpy as jnp
from jax import lax
from jax.experimental import pallas as pl
from jax.experimental.pallas import tpu as pltpu
from jax.experimental.pallas import tpu_sc as plsc

N_ATOMS = 500000
NALTERN = 4
NBINS = 8 * 4 * 512
ACC_WORDS = NBINS * NALTERN
N_SUBCORES = 16
N_CORES = 2

BLK = 8192
N_BLKS = 62
HALF_BLKS = N_BLKS // 2
STREAM = HALF_BLKS * BLK

SLOTS_PER_SUB = STREAM // N_SUBCORES
SC_CHUNK = 7936
SC_NCHUNK = SLOTS_PER_SUB // SC_CHUNK
SC_STEPS = SC_CHUNK // 16


def _tc_prep_kernel(blk0, desc_ref, mask_ref, facc_ref,
                    sb_ref, v0_ref, v1_ref, v2_ref, v3_ref):
    i = pl.program_id(0) + blk0
    dt = desc_ref[...]
    b = dt[0:1, :]
    ch = dt[1:2, :]
    r = dt[2:3, :]
    at = dt[3:4, :]
    cls = (at >= 4).astype(jnp.int32)
    gj = i * BLK + lax.broadcasted_iota(jnp.int32, (1, BLK), 1)
    valid = gj < N_ATOMS
    sb = at * 131072 + cls * 65536 + b * 8192 + ch * 2048 + r * 4
    sb = jnp.where(valid, sb, 0)
    ft = facc_ref[...]
    m2 = mask_ref[...].reshape(1, BLK)
    sb_ref[...] = sb.reshape(BLK)
    for a, ref in enumerate((v0_ref, v1_ref, v2_ref, v3_ref)):
        mb = ((m2 >> (8 * a)) & 1).astype(jnp.float32)
        va = jnp.maximum(ft[a:a + 1, :], 0.0) * mb
        va = jnp.where(valid, va, 0.0)
        ref[...] = va.reshape(BLK)


def _tc_prep(atom_description, mask_packed, facc, blk0):
    oblock = pl.BlockSpec((BLK,), lambda i: (i,))
    return pl.pallas_call(
        functools.partial(_tc_prep_kernel, blk0),
        grid=(HALF_BLKS,),
        in_specs=[
            pl.BlockSpec((4, BLK), lambda i, b=blk0: (0, i + b)),
            pl.BlockSpec((BLK,), lambda i, b=blk0: (i + b,)),
            pl.BlockSpec((NALTERN, BLK), lambda i, b=blk0: (0, i + b)),
        ],
        out_specs=[oblock] * 5,
        out_shape=[jax.ShapeDtypeStruct((STREAM,), jnp.int32)]
        + [jax.ShapeDtypeStruct((STREAM,), jnp.float32)] * 4,
    )(atom_description, mask_packed, facc)


def _sc_scatter_kernel(sb_hbm, v0_hbm, v1_hbm, v2_hbm, v3_hbm, props_hbm,
                       out_hbm, sb_v, v0_v, v1_v, v2_v, v3_v, props_v, acc_v):
    c = lax.axis_index("c")
    s = lax.axis_index("s")

    pltpu.sync_copy(props_hbm, props_v)

    zeros16 = jnp.zeros((16,), jnp.float32)

    @plsc.parallel_loop(0, ACC_WORDS // 16, unroll=8)
    def _zero(i):
        acc_v[pl.ds(i * 16, 16)] = zeros16

    lane = lax.iota(jnp.int32, 16)
    col0 = lane * 0
    cvec = jnp.broadcast_to(c, (16,)).astype(jnp.int32)
    sub_base = s * SLOTS_PER_SUB
    vrefs = (v0_v, v1_v, v2_v, v3_v)

    def chunk_body(k, carry):
        base = sub_base + k * SC_CHUNK
        pltpu.sync_copy(sb_hbm.at[pl.ds(base, SC_CHUNK)], sb_v)
        pltpu.sync_copy(v0_hbm.at[pl.ds(base, SC_CHUNK)], v0_v)
        pltpu.sync_copy(v1_hbm.at[pl.ds(base, SC_CHUNK)], v1_v)
        pltpu.sync_copy(v2_hbm.at[pl.ds(base, SC_CHUNK)], v2_v)
        pltpu.sync_copy(v3_hbm.at[pl.ds(base, SC_CHUNK)], v3_v)

        @plsc.parallel_loop(0, SC_STEPS, unroll=4)
        def _steps(t):
            o = t * 16
            w = sb_v[pl.ds(o, 16)]
            at = w >> 17
            sel = ((w >> 16) & 1) == cvec
            cell = w & 65535
            vdw = plsc.load_gather(props_v, [at, col0])
            for a in range(NALTERN):
                v = vrefs[a][pl.ds(o, 16)]
                plsc.addupdate_scatter(acc_v, [cell + a], v * vdw, mask=sel)

        return carry

    lax.fori_loop(0, SC_NCHUNK, chunk_body, 0)

    pltpu.sync_copy(acc_v, out_hbm.at[c, s])


_sc_scatter = functools.partial(
    pl.kernel,
    out_type=jax.ShapeDtypeStruct((N_CORES, N_SUBCORES, ACC_WORDS), jnp.float32),
    mesh=plsc.VectorSubcoreMesh(core_axis_name="c", subcore_axis_name="s"),
    compiler_params=pltpu.CompilerParams(needs_layout_passes=False,
                                         use_tc_tiling_on_sc=False),
    scratch_types=[
        pltpu.VMEM((SC_CHUNK,), jnp.int32),
        pltpu.VMEM((SC_CHUNK,), jnp.float32),
        pltpu.VMEM((SC_CHUNK,), jnp.float32),
        pltpu.VMEM((SC_CHUNK,), jnp.float32),
        pltpu.VMEM((SC_CHUNK,), jnp.float32),
        pltpu.VMEM((40, 8), jnp.float32),
        pltpu.VMEM((ACC_WORDS,), jnp.float32),
    ],
)(_sc_scatter_kernel)


def _tc_reduce_kernel(p_ref, q_ref, w_ref, out_ref):
    scale = (1.0 - jnp.tanh(w_ref[0, 0])) * 0.3
    out_ref[...] = (jnp.sum(p_ref[...], axis=1)
                    + jnp.sum(q_ref[...], axis=1)) * scale


def _tc_reduce(p0, p1, weight):
    cols = ACC_WORDS // 8
    pspec = pl.BlockSpec((N_CORES, N_SUBCORES, cols), lambda j: (0, 0, j))
    return pl.pallas_call(
        _tc_reduce_kernel,
        grid=(8,),
        in_specs=[pspec, pspec, pl.BlockSpec(memory_space=pltpu.SMEM)],
        out_specs=pl.BlockSpec((N_CORES, cols), lambda j: (0, j)),
        out_shape=jax.ShapeDtypeStruct((N_CORES, ACC_WORDS), jnp.float32),
    )(p0, p1, weight)


@jax.jit
def kernel(coords, atom_description, alternativeMask, facc, weight, atom_Properties):
    del coords
    mask_packed = lax.bitcast_convert_type(
        alternativeMask.astype(jnp.int8), jnp.int32)
    desc_t = atom_description.T
    facc_t = facc.T
    s0 = _tc_prep(desc_t, mask_packed, facc_t, 0)
    p0 = _sc_scatter(*s0, atom_Properties)
    s1 = _tc_prep(desc_t, mask_packed, facc_t, HALF_BLKS)
    p1 = _sc_scatter(*s1, atom_Properties)
    out2 = _tc_reduce(p0, p1, weight.reshape(1, 1))
    final_mc = out2[0].reshape(8, 4, 512, NALTERN)
    final_sc = out2[1].reshape(8, 4, 512, NALTERN)
    return (final_mc, final_sc)

# --- scband reference (transcript-rebuilt; emitter-appended) ---
"""Pipeline reference for scband-vdw-33741263078050 (READ-ONLY COPY).

The authoritative reference and input builder live on the scoring server;
editing this copy changes nothing except your own understanding.
"""

import jax, jax.numpy as jnp
import numpy as np

N_ATOMS = 500000
NALTERN = 4
N_ATOM_TYPES = 40
N_PROPS = 8
BATCH_RANGE = 8
CHAIN_RANGE = 4
RES_RANGE = 512
PADDING_INDEX = -999
# column layout of atom_description, mirroring hashings.atom_description_hash
COL_BATCH, COL_CHAIN, COL_RESNUM, COL_ATNAME = 0, 1, 2, 3
VDW_COL = 0  # hashings.property_hashings['solvenergy_props']['VdW']
BACKBONE_ATOMS = (0, 1, 2, 3)


def setup_inputs(seed: int = 0) -> dict:
    key = jax.random.key(seed)
    k1, k2, k3, k4, k5, k6, k7, k8 = jax.random.split(key, 8)
    coords = jax.random.normal(k1, (N_ATOMS, 3), dtype=jnp.float32) * 10.0
    b = jax.random.randint(k2, (N_ATOMS,), 0, BATCH_RANGE)
    c = jax.random.randint(k3, (N_ATOMS,), 0, CHAIN_RANGE)
    r = jax.random.randint(k4, (N_ATOMS,), 0, RES_RANGE)
    a = jax.random.randint(k5, (N_ATOMS,), 0, N_ATOM_TYPES)
    atom_description = jnp.stack([b, c, r, a], axis=1).astype(jnp.int32)
    alternativeMask = jax.random.bernoulli(k6, 0.7, (N_ATOMS, NALTERN))
    facc = jax.random.uniform(k7, (N_ATOMS, NALTERN), dtype=jnp.float32)
    weight = jnp.zeros((1,), dtype=jnp.float32)  # nn.Parameter init torch.tensor([0.0])
    atom_Properties = jax.random.normal(k8, (N_ATOM_TYPES, N_PROPS), dtype=jnp.float32)  # stand-in for hashings.atom_Properties
    return {
        'coords': coords,
        'atom_description': atom_description,
        'alternativeMask': alternativeMask,
        'facc': facc,
        'weight': weight,
        'atom_Properties': atom_Properties,
    }


def reference(coords, atom_description, alternativeMask, facc, weight, atom_Properties):
    n_atoms = atom_description.shape[0]
    naltern = alternativeMask.shape[-1]
    at_name = atom_description[:, COL_ATNAME]

    # is_backbone_mask: OR over backbone atom types
    is_backbone = jnp.zeros((n_atoms,), dtype=bool)
    for bb in BACKBONE_ATOMS:
        is_backbone = is_backbone | (at_name == bb)

    # bindToAtoms
    minSaCoefficient = 0.0
    saCoefficient = jnp.maximum(facc, minSaCoefficient)
    vdw_tab_value = atom_Properties[at_name, VDW_COL]  # gather per atom
    atomEnergy = jnp.where(alternativeMask, vdw_tab_value[:, None] * saCoefficient, 0.0)
    atomEnergy = atomEnergy * (1.0 - jnp.tanh(weight[0])) * 0.3

    # bindToResi
    bcol = atom_description[:, COL_BATCH]
    ccol = atom_description[:, COL_CHAIN]
    rcol = atom_description[:, COL_RESNUM]
    batch = BATCH_RANGE
    nchains = CHAIN_RANGE
    nres = RES_RANGE

    batchIndex = jnp.broadcast_to(bcol[:, None], (n_atoms, naltern))
    chaIndex = jnp.broadcast_to(ccol[:, None], (n_atoms, naltern))
    resIndex = jnp.broadcast_to(rcol[:, None], (n_atoms, naltern))
    altIndex = jnp.broadcast_to(jnp.arange(naltern, dtype=jnp.int32)[None, :], (n_atoms, naltern))

    mask_padding = resIndex != PADDING_INDEX
    is_bb2 = jnp.broadcast_to(is_backbone[:, None], (n_atoms, naltern))

    r_safe = jnp.clip(resIndex, 0, nres - 1)

    mask_mc = is_bb2 & mask_padding
    finalMC = jnp.zeros((batch, nchains, nres, naltern), dtype=jnp.float32)
    finalMC = finalMC.at[batchIndex, chaIndex, r_safe, altIndex].add(
        jnp.where(mask_mc, atomEnergy, 0.0))

    mask_sc = mask_padding & (~is_bb2)
    finalSC = jnp.zeros((batch, nchains, nres, naltern), dtype=jnp.float32)
    finalSC = finalSC.at[batchIndex, chaIndex, r_safe, altIndex].add(
        jnp.where(mask_sc, atomEnergy, 0.0))

    return (finalMC, finalSC)


if False:  # reference __main__ guard neutralized (emitter)
    out = reference(**setup_inputs())
    print(out[0].shape, out[1].shape)

if __name__ == "__main__":
    import jax
    _d = setup_inputs()
    print(jax.jit(kernel)(*tuple(_d.values())))

</pallas_src>

<mosaic_0001>
#map = affine_map<(d0, d1) -> (0)>
#map1 = affine_map<(d0, d1) -> (0, 0)>
#map2 = affine_map<(d0, d1) -> (0, 0, 0)>
module attributes {stable_mosaic.version = 14 : i64} {
  func.func @_sc_scatter_kernel(%arg0: i32, %arg1: i32, %arg2: memref<253952xi32, #tpu.memory_space<hbm>>, %arg3: memref<253952xf32, #tpu.memory_space<hbm>>, %arg4: memref<253952xf32, #tpu.memory_space<hbm>>, %arg5: memref<253952xf32, #tpu.memory_space<hbm>>, %arg6: memref<253952xf32, #tpu.memory_space<hbm>>, %arg7: memref<40x8xf32, #tpu.memory_space<hbm>>, %arg8: memref<2x16x65536xf32, #tpu.memory_space<hbm>>, %arg9: memref<7936xi32, #tpu.memory_space<vmem>>, %arg10: memref<7936xf32, #tpu.memory_space<vmem>>, %arg11: memref<7936xf32, #tpu.memory_space<vmem>>, %arg12: memref<7936xf32, #tpu.memory_space<vmem>>, %arg13: memref<7936xf32, #tpu.memory_space<vmem>>, %arg14: memref<40x8xf32, #tpu.memory_space<vmem>>, %arg15: memref<65536xf32, #tpu.memory_space<vmem>>) attributes {dimension_semantics = [#tpu.dimension_semantics<core_parallel>, #tpu.dimension_semantics<subcore_parallel>], iteration_bounds = array<i64: 2, 16>, scalar_prefetch = 0 : i64, scratch_operands = 7 : i64, tpu.core_type = #tpu.core_type<sc_vector_subcore>, window_params = [{transform_indices = #map}, {transform_indices = #map}, {transform_indices = #map}, {transform_indices = #map}, {transform_indices = #map}, {transform_indices = #map1}, {transform_indices = #map2}]} {
    "tpu.region"() ({
      %run_scoped3A = tpu.sem_alloc : memref<!tpu.dma_semaphore, #tpu.memory_space<semaphore_mem>>
      tpu.enqueue_dma source(%arg7 : memref<40x8xf32, #tpu.memory_space<hbm>>) target(%arg14 : memref<40x8xf32, #tpu.memory_space<vmem>>) target_semaphore(%run_scoped3A : memref<!tpu.dma_semaphore, #tpu.memory_space<semaphore_mem>>)
      tpu.wait_dma2 semaphore(%run_scoped3A : memref<!tpu.dma_semaphore, #tpu.memory_space<semaphore_mem>>) src(%arg7 : memref<40x8xf32, #tpu.memory_space<hbm>>) dst(%arg14 : memref<40x8xf32, #tpu.memory_space<vmem>>)
      tpu.yield
    }) : () -> ()
    %broadcast_in_dim3A = arith.constant 0.000000e+00 : f32
    %broadcast_in_dim3A_0 = vector.broadcast %broadcast_in_dim3A : f32 to vector<16xf32>
    %parallel_loop3A = arith.constant 0 : i32
    %parallel_loop3A_1 = arith.constant 4096 : i32
    %parallel_loop3A_2 = arith.constant 1 : i32
    scf.for %parallel_loop3A_13 = %parallel_loop3A to %parallel_loop3A_1 step %parallel_loop3A_2  : i32 {
      %parallel_loop3A_14 = arith.constant 16 : i32
      %parallel_loop3A_15 = arith.muli %parallel_loop3A_13, %parallel_loop3A_14 : i32
      %parallel_loop3A_16 = arith.index_cast %parallel_loop3A_15 : i32 to index
      %parallel_loop3A_17 = tpu.vector_load %arg15[%parallel_loop3A_16] {strides = array<i32>} : memref<65536xf32, #tpu.memory_space<vmem>>, vector<16xf32>,
      tpu.vector_store %arg15[%parallel_loop3A_16], %broadcast_in_dim3A_0 {strides = array<i32>} : memref<65536xf32, #tpu.memory_space<vmem>>, vector<16xf32>,
    } {sc.loop_unroll_factor = 8 : i64, sc.parallel_access}
    %iota3A = tpu.iota {dimensions = array<i32: 0>} : vector<16xi32>
    %mul3A = arith.constant 0 : i32
    %mul3A_3 = vector.broadcast %mul3A : i32 to vector<16xi32>
    %mul3A_4 = arith.muli %iota3A, %mul3A_3 : vector<16xi32>
    %broadcast_in_dim3A_5 = vector.broadcast %arg0 : i32 to vector<16xi32>
    %mul3A_6 = arith.constant 15872 : i32
    %mul3A_7 = arith.muli %arg1, %mul3A_6 : i32
    %scan3A = arith.constant 0 : i32
    %scan3A_8 = arith.constant 0 : i32
    %scan3A_9 = arith.constant 2 : i32
    %scan3A_10 = arith.addi %scan3A_8, %scan3A_9 : i32
    %scan3A_11 = arith.constant 1 : i32
    scf.for %scan3A_13 = %scan3A_8 to %scan3A_10 step %scan3A_11  : i32 {
      %mul3A_14 = arith.constant 7936 : i32
      %mul3A_15 = arith.muli %scan3A_13, %mul3A_14 : i32
      %add3A = arith.addi %mul3A_7, %mul3A_15 : i32
      "tpu.region"() ({
        %run_scoped3A = tpu.sem_alloc : memref<!tpu.dma_semaphore, #tpu.memory_space<semaphore_mem>>
        %dma_start3A = tpu.memref_slice %arg2[%add3A] : memref<253952xi32, #tpu.memory_space<hbm>> -> memref<7936xi32, #tpu.memory_space<hbm>>
        %dma_start3A_19 = tpu.memref_slice %arg2[%add3A] : memref<253952xi32, #tpu.memory_space<hbm>> -> memref<7936xi32, #tpu.memory_space<hbm>>
        tpu.enqueue_dma source(%dma_start3A_19 : memref<7936xi32, #tpu.memory_space<hbm>>) target(%arg9 : memref<7936xi32, #tpu.memory_space<vmem>>) target_semaphore(%run_scoped3A : memref<!tpu.dma_semaphore, #tpu.memory_space<semaphore_mem>>)
        %dma_wait3A = tpu.memref_slice %arg2[%add3A] : memref<253952xi32, #tpu.memory_space<hbm>> -> memref<7936xi32, #tpu.memory_space<hbm>>
        %dma_wait3A_20 = tpu.memref_slice %arg2[%add3A] : memref<253952xi32, #tpu.memory_space<hbm>> -> memref<7936xi32, #tpu.memory_space<hbm>>
        tpu.wait_dma2 semaphore(%run_scoped3A : memref<!tpu.dma_semaphore, #tpu.memory_space<semaphore_mem>>) src(%dma_wait3A_20 : memref<7936xi32, #tpu.memory_space<hbm>>) dst(%arg9 : memref<7936xi32, #tpu.memory_space<vmem>>)
        tpu.yield
      }) : () -> ()
      "tpu.region"() ({
        %run_scoped3A = tpu.sem_alloc : memref<!tpu.dma_semaphore, #tpu.memory_space<semaphore_mem>>
        %dma_start3A = tpu.memref_slice %arg3[%add3A] : memref<253952xf32, #tpu.memory_space<hbm>> -> memref<7936xf32, #tpu.memory_space<hbm>>
        %dma_start3A_19 = tpu.memref_slice %arg3[%add3A] : memref<253952xf32, #tpu.memory_space<hbm>> -> memref<7936xf32, #tpu.memory_space<hbm>>
        tpu.enqueue_dma source(%dma_start3A_19 : memref<7936xf32, #tpu.memory_space<hbm>>) target(%arg10 : memref<7936xf32, #tpu.memory_space<vmem>>) target_semaphore(%run_scoped3A : memref<!tpu.dma_semaphore, #tpu.memory_space<semaphore_mem>>)
        %dma_wait3A = tpu.memref_slice %arg3[%add3A] : memref<253952xf32, #tpu.memory_space<hbm>> -> memref<7936xf32, #tpu.memory_space<hbm>>
        %dma_wait3A_20 = tpu.memref_slice %arg3[%add3A] : memref<253952xf32, #tpu.memory_space<hbm>> -> memref<7936xf32, #tpu.memory_space<hbm>>
        tpu.wait_dma2 semaphore(%run_scoped3A : memref<!tpu.dma_semaphore, #tpu.memory_space<semaphore_mem>>) src(%dma_wait3A_20 : memref<7936xf32, #tpu.memory_space<hbm>>) dst(%arg10 : memref<7936xf32, #tpu.memory_space<vmem>>)
        tpu.yield
      }) : () -> ()
      "tpu.region"() ({
        %run_scoped3A = tpu.sem_alloc : memref<!tpu.dma_semaphore, #tpu.memory_space<semaphore_mem>>
        %dma_start3A = tpu.memref_slice %arg4[%add3A] : memref<253952xf32, #tpu.memory_space<hbm>> -> memref<7936xf32, #tpu.memory_space<hbm>>
        %dma_start3A_19 = tpu.memref_slice %arg4[%add3A] : memref<253952xf32, #tpu.memory_space<hbm>> -> memref<7936xf32, #tpu.memory_space<hbm>>
        tpu.enqueue_dma source(%dma_start3A_19 : memref<7936xf32, #tpu.memory_space<hbm>>) target(%arg11 : memref<7936xf32, #tpu.memory_space<vmem>>) target_semaphore(%run_scoped3A : memref<!tpu.dma_semaphore, #tpu.memory_space<semaphore_mem>>)
        %dma_wait3A = tpu.memref_slice %arg4[%add3A] : memref<253952xf32, #tpu.memory_space<hbm>> -> memref<7936xf32, #tpu.memory_space<hbm>>
        %dma_wait3A_20 = tpu.memref_slice %arg4[%add3A] : memref<253952xf32, #tpu.memory_space<hbm>> -> memref<7936xf32, #tpu.memory_space<hbm>>
        tpu.wait_dma2 semaphore(%run_scoped3A : memref<!tpu.dma_semaphore, #tpu.memory_space<semaphore_mem>>) src(%dma_wait3A_20 : memref<7936xf32, #tpu.memory_space<hbm>>) dst(%arg11 : memref<7936xf32, #tpu.memory_space<vmem>>)
        tpu.yield
      }) : () -> ()
      "tpu.region"() ({
        %run_scoped3A = tpu.sem_alloc : memref<!tpu.dma_semaphore, #tpu.memory_space<semaphore_mem>>
        %dma_start3A = tpu.memref_slice %arg5[%add3A] : memref<253952xf32, #tpu.memory_space<hbm>> -> memref<7936xf32, #tpu.memory_space<hbm>>
        %dma_start3A_19 = tpu.memref_slice %arg5[%add3A] : memref<253952xf32, #tpu.memory_space<hbm>> -> memref<7936xf32, #tpu.memory_space<hbm>>
        tpu.enqueue_dma source(%dma_start3A_19 : memref<7936xf32, #tpu.memory_space<hbm>>) target(%arg12 : memref<7936xf32, #tpu.memory_space<vmem>>) target_semaphore(%run_scoped3A : memref<!tpu.dma_semaphore, #tpu.memory_space<semaphore_mem>>)
        %dma_wait3A = tpu.memref_slice %arg5[%add3A] : memref<253952xf32, #tpu.memory_space<hbm>> -> memref<7936xf32, #tpu.memory_space<hbm>>
        %dma_wait3A_20 = tpu.memref_slice %arg5[%add3A] : memref<253952xf32, #tpu.memory_space<hbm>> -> memref<7936xf32, #tpu.memory_space<hbm>>
        tpu.wait_dma2 semaphore(%run_scoped3A : memref<!tpu.dma_semaphore, #tpu.memory_space<semaphore_mem>>) src(%dma_wait3A_20 : memref<7936xf32, #tpu.memory_space<hbm>>) dst(%arg12 : memref<7936xf32, #tpu.memory_space<vmem>>)
        tpu.yield
      }) : () -> ()
      "tpu.region"() ({
        %run_scoped3A = tpu.sem_alloc : memref<!tpu.dma_semaphore, #tpu.memory_space<semaphore_mem>>
        %dma_start3A = tpu.memref_slice %arg6[%add3A] : memref<253952xf32, #tpu.memory_space<hbm>> -> memref<7936xf32, #tpu.memory_space<hbm>>
        %dma_start3A_19 = tpu.memref_slice %arg6[%add3A] : memref<253952xf32, #tpu.memory_space<hbm>> -> memref<7936xf32, #tpu.memory_space<hbm>>
        tpu.enqueue_dma source(%dma_start3A_19 : memref<7936xf32, #tpu.memory_space<hbm>>) target(%arg13 : memref<7936xf32, #tpu.memory_space<vmem>>) target_semaphore(%run_scoped3A : memref<!tpu.dma_semaphore, #tpu.memory_space<semaphore_mem>>)
        %dma_wait3A = tpu.memref_slice %arg6[%add3A] : memref<253952xf32, #tpu.memory_space<hbm>> -> memref<7936xf32, #tpu.memory_space<hbm>>
        %dma_wait3A_20 = tpu.memref_slice %arg6[%add3A] : memref<253952xf32, #tpu.memory_space<hbm>> -> memref<7936xf32, #tpu.memory_space<hbm>>
        tpu.wait_dma2 semaphore(%run_scoped3A : memref<!tpu.dma_semaphore, #tpu.memory_space<semaphore_mem>>) src(%dma_wait3A_20 : memref<7936xf32, #tpu.memory_space<hbm>>) dst(%arg13 : memref<7936xf32, #tpu.memory_space<vmem>>)
        tpu.yield
      }) : () -> ()
      %parallel_loop3A_16 = arith.constant 0 : i32
      %parallel_loop3A_17 = arith.constant 496 : i32
      %parallel_loop3A_18 = arith.constant 1 : i32
      scf.for %parallel_loop3A_19 = %parallel_loop3A_16 to %parallel_loop3A_17 step %parallel_loop3A_18  : i32 {
        %parallel_loop3A_20 = arith.constant 16 : i32
        %parallel_loop3A_21 = arith.muli %parallel_loop3A_19, %parallel_loop3A_20 : i32
        %parallel_loop3A_22 = arith.index_cast %parallel_loop3A_21 : i32 to index
        %parallel_loop3A_23 = tpu.vector_load %arg9[%parallel_loop3A_22] {strides = array<i32>} : memref<7936xi32, #tpu.memory_space<vmem>>, vector<16xi32>,
        %parallel_loop3A_24 = arith.constant 17 : i32
        %parallel_loop3A_25 = vector.broadcast %parallel_loop3A_24 : i32 to vector<16xi32>
        %parallel_loop3A_26 = arith.shrsi %parallel_loop3A_23, %parallel_loop3A_25 : vector<16xi32>
        %parallel_loop3A_27 = arith.constant 16 : i32
        %parallel_loop3A_28 = vector.broadcast %parallel_loop3A_27 : i32 to vector<16xi32>
        %parallel_loop3A_29 = arith.shrsi %parallel_loop3A_23, %parallel_loop3A_28 : vector<16xi32>
        %parallel_loop3A_30 = arith.constant 1 : i32
        %parallel_loop3A_31 = vector.broadcast %parallel_loop3A_30 : i32 to vector<16xi32>
        %parallel_loop3A_32 = arith.andi %parallel_loop3A_29, %parallel_loop3A_31 : vector<16xi32>
        %parallel_loop3A_33 = arith.cmpi eq, %parallel_loop3A_32, %broadcast_in_dim3A_5 : vector<16xi32>
        %parallel_loop3A_34 = arith.constant 65535 : i32
        %parallel_loop3A_35 = vector.broadcast %parallel_loop3A_34 : i32 to vector<16xi32>
        %parallel_loop3A_36 = arith.andi %parallel_loop3A_23, %parallel_loop3A_35 : vector<16xi32>
        %parallel_loop3A_37 = tpu.vector_load_idx %arg14[%parallel_loop3A_26, %mul3A_4] : memref<40x8xf32, #tpu.memory_space<vmem>>[vector<16xi32>, vector<16xi32>], vector<16xf32>,
        %parallel_loop3A_38 = arith.index_cast %parallel_loop3A_21 : i32 to index
        %parallel_loop3A_39 = tpu.vector_load %arg10[%parallel_loop3A_38] {strides = array<i32>} : memref<7936xf32, #tpu.memory_space<vmem>>, vector<16xf32>,
        %parallel_loop3A_40 = arith.constant 0 : i32
        %parallel_loop3A_41 = vector.broadcast %parallel_loop3A_40 : i32 to vector<16xi32>
        %parallel_loop3A_42 = arith.addi %parallel_loop3A_36, %parallel_loop3A_41 : vector<16xi32>
        %parallel_loop3A_43 = arith.mulf %parallel_loop3A_39, %parallel_loop3A_37 : vector<16xf32>
        tpu.vector_store_idx %arg15[%parallel_loop3A_42], %parallel_loop3A_43 masked %parallel_loop3A_33 {add = true} : memref<65536xf32, #tpu.memory_space<vmem>>[vector<16xi32>], vector<16xf32>, vector<16xi1>
        %parallel_loop3A_44 = arith.index_cast %parallel_loop3A_21 : i32 to index
        %parallel_loop3A_45 = tpu.vector_load %arg11[%parallel_loop3A_44] {strides = array<i32>} : memref<7936xf32, #tpu.memory_space<vmem>>, vector<16xf32>,
        %parallel_loop3A_46 = arith.constant 1 : i32
        %parallel_loop3A_47 = vector.broadcast %parallel_loop3A_46 : i32 to vector<16xi32>
        %parallel_loop3A_48 = arith.addi %parallel_loop3A_36, %parallel_loop3A_47 : vector<16xi32>
        %parallel_loop3A_49 = arith.mulf %parallel_loop3A_45, %parallel_loop3A_37 : vector<16xf32>
        tpu.vector_store_idx %arg15[%parallel_loop3A_48], %parallel_loop3A_49 masked %parallel_loop3A_33 {add = true} : memref<65536xf32, #tpu.memory_space<vmem>>[vector<16xi32>], vector<16xf32>, vector<16xi1>
        %parallel_loop3A_50 = arith.index_cast %parallel_loop3A_21 : i32 to index
        %parallel_loop3A_51 = tpu.vector_load %arg12[%parallel_loop3A_50] {strides = array<i32>} : memref<7936xf32, #tpu.memory_space<vmem>>, vector<16xf32>,
        %parallel_loop3A_52 = arith.constant 2 : i32
        %parallel_loop3A_53 = vector.broadcast %parallel_loop3A_52 : i32 to vector<16xi32>
        %parallel_loop3A_54 = arith.addi %parallel_loop3A_36, %parallel_loop3A_53 : vector<16xi32>
        %parallel_loop3A_55 = arith.mulf %parallel_loop3A_51, %parallel_loop3A_37 : vector<16xf32>
        tpu.vector_store_idx %arg15[%parallel_loop3A_54], %parallel_loop3A_55 masked %parallel_loop3A_33 {add = true} : memref<65536xf32, #tpu.memory_space<vmem>>[vector<16xi32>], vector<16xf32>, vector<16xi1>
        %parallel_loop3A_56 = arith.index_cast %parallel_loop3A_21 : i32 to index
        %parallel_loop3A_57 = tpu.vector_load %arg13[%parallel_loop3A_56] {strides = array<i32>} : memref<7936xf32, #tpu.memory_space<vmem>>, vector<16xf32>,
        %parallel_loop3A_58 = arith.constant 3 : i32
        %parallel_loop3A_59 = vector.broadcast %parallel_loop3A_58 : i32 to vector<16xi32>
        %parallel_loop3A_60 = arith.addi %parallel_loop3A_36, %parallel_loop3A_59 : vector<16xi32>
        %parallel_loop3A_61 = arith.mulf %parallel_loop3A_57, %parallel_loop3A_37 : vector<16xf32>
        tpu.vector_store_idx %arg15[%parallel_loop3A_60], %parallel_loop3A_61 masked %parallel_loop3A_33 {add = true} : memref<65536xf32, #tpu.memory_space<vmem>>[vector<16xi32>], vector<16xf32>, vector<16xi1>
      } {sc.loop_unroll_factor = 4 : i64, sc.parallel_access}
    }
    %scan3A_12 = arith.constant 2 : i32
    "tpu.region"() ({
      %run_scoped3A = tpu.sem_alloc : memref<!tpu.dma_semaphore, #tpu.memory_space<semaphore_mem>>
      %dma_start3A = arith.constant 0 : i32
      %dma_start3A_13 = tpu.memref_slice %arg8[%arg0, %arg1, %dma_start3A] : memref<2x16x65536xf32, #tpu.memory_space<hbm>> -> memref<1x1x65536xf32, #tpu.memory_space<hbm>>
      %dma_start3A_14 = tpu.memref_squeeze %dma_start3A_13 : memref<1x1x65536xf32, #tpu.memory_space<hbm>> -> memref<65536xf32, #tpu.memory_space<hbm>>
      %dma_start3A_15 = arith.constant 0 : i32
      %dma_start3A_16 = tpu.memref_slice %arg8[%arg0, %arg1, %dma_start3A_15] : memref<2x16x65536xf32, #tpu.memory_space<hbm>> -> memref<1x1x65536xf32, #tpu.memory_space<hbm>>
      %dma_start3A_17 = tpu.memref_squeeze %dma_start3A_16 : memref<1x1x65536xf32, #tpu.memory_space<hbm>> -> memref<65536xf32, #tpu.memory_space<hbm>>
      tpu.enqueue_dma source(%arg15 : memref<65536xf32, #tpu.memory_space<vmem>>) target(%dma_start3A_17 : memref<65536xf32, #tpu.memory_space<hbm>>) target_semaphore(%run_scoped3A : memref<!tpu.dma_semaphore, #tpu.memory_space<semaphore_mem>>)
      %dma_wait3A = arith.constant 0 : i32
      %dma_wait3A_18 = tpu.memref_slice %arg8[%arg0, %arg1, %dma_wait3A] : memref<2x16x65536xf32, #tpu.memory_space<hbm>> -> memref<1x1x65536xf32, #tpu.memory_space<hbm>>
      %dma_wait3A_19 = tpu.memref_squeeze %dma_wait3A_18 : memref<1x1x65536xf32, #tpu.memory_space<hbm>> -> memref<65536xf32, #tpu.memory_space<hbm>>
      %dma_wait3A_20 = arith.constant 0 : i32
      %dma_wait3A_21 = tpu.memref_slice %arg8[%arg0, %arg1, %dma_wait3A_20] : memref<2x16x65536xf32, #tpu.memory_space<hbm>> -> memref<1x1x65536xf32, #tpu.memory_space<hbm>>
      %dma_wait3A_22 = tpu.memref_squeeze %dma_wait3A_21 : memref<1x1x65536xf32, #tpu.memory_space<hbm>> -> memref<65536xf32, #tpu.memory_space<hbm>>
      tpu.wait_dma2 semaphore(%run_scoped3A : memref<!tpu.dma_semaphore, #tpu.memory_space<semaphore_mem>>) src(%arg15 : memref<65536xf32, #tpu.memory_space<vmem>>) dst(%dma_wait3A_22 : memref<65536xf32, #tpu.memory_space<hbm>>)
      tpu.yield
    }) : () -> ()
    return
  }
}

#map = affine_map<(d0, d1) -> (0)>
#map1 = affine_map<(d0, d1) -> (0, 0)>
#map2 = affine_map<(d0, d1) -> (0, 0, 0)>
module attributes {stable_mosaic.version = 14 : i64} {
  func.func @_sc_scatter_kernel(%arg0: i32, %arg1: i32, %arg2: memref<253952xi32, #tpu.memory_space<hbm>>, %arg3: memref<253952xf32, #tpu.memory_space<hbm>>, %arg4: memref<253952xf32, #tpu.memory_space<hbm>>, %arg5: memref<253952xf32, #tpu.memory_space<hbm>>, %arg6: memref<253952xf32, #tpu.memory_space<hbm>>, %arg7: memref<40x8xf32, #tpu.memory_space<hbm>>, %arg8: memref<2x16x65536xf32, #tpu.memory_space<hbm>>, %arg9: memref<7936xi32, #tpu.memory_space<vmem>>, %arg10: memref<7936xf32, #tpu.memory_space<vmem>>, %arg11: memref<7936xf32, #tpu.memory_space<vmem>>, %arg12: memref<7936xf32, #tpu.memory_space<vmem>>, %arg13: memref<7936xf32, #tpu.memory_space<vmem>>, %arg14: memref<40x8xf32, #tpu.memory_space<vmem>>, %arg15: memref<65536xf32, #tpu.memory_space<vmem>>) attributes {dimension_semantics = [#tpu.dimension_semantics<core_parallel>, #tpu.dimension_semantics<subcore_parallel>], iteration_bounds = array<i64: 2, 16>, scalar_prefetch = 0 : i64, scratch_operands = 7 : i64, tpu.core_type = #tpu.core_type<sc_vector_subcore>, window_params = [{transform_indices = #map}, {transform_indices = #map}, {transform_indices = #map}, {transform_indices = #map}, {transform_indices = #map}, {transform_indices = #map1}, {transform_indices = #map2}]} {
    "tpu.region"() ({
      %run_scoped3A = tpu.sem_alloc : memref<!tpu.dma_semaphore, #tpu.memory_space<semaphore_mem>>
      tpu.enqueue_dma source(%arg7 : memref<40x8xf32, #tpu.memory_space<hbm>>) target(%arg14 : memref<40x8xf32, #tpu.memory_space<vmem>>) target_semaphore(%run_scoped3A : memref<!tpu.dma_semaphore, #tpu.memory_space<semaphore_mem>>)
      tpu.wait_dma2 semaphore(%run_scoped3A : memref<!tpu.dma_semaphore, #tpu.memory_space<semaphore_mem>>) src(%arg7 : memref<40x8xf32, #tpu.memory_space<hbm>>) dst(%arg14 : memref<40x8xf32, #tpu.memory_space<vmem>>)
      tpu.yield
    }) : () -> ()
    %broadcast_in_dim3A = arith.constant 0.000000e+00 : f32
    %broadcast_in_dim3A_0 = vector.broadcast %broadcast_in_dim3A : f32 to vector<16xf32>
    %parallel_loop3A = arith.constant 0 : i32
    %parallel_loop3A_1 = arith.constant 4096 : i32
    %parallel_loop3A_2 = arith.constant 1 : i32
    scf.for %parallel_loop3A_13 = %parallel_loop3A to %parallel_loop3A_1 step %parallel_loop3A_2  : i32 {
      %parallel_loop3A_14 = arith.constant 16 : i32
      %parallel_loop3A_15 = arith.muli %parallel_loop3A_13, %parallel_loop3A_14 : i32
      %parallel_loop3A_16 = arith.index_cast %parallel_loop3A_15 : i32 to index
      %parallel_loop3A_17 = tpu.vector_load %arg15[%parallel_loop3A_16] {strides = array<i32>} : memref<65536xf32, #tpu.memory_space<vmem>>, vector<16xf32>,
      tpu.vector_store %arg15[%parallel_loop3A_16], %broadcast_in_dim3A_0 {strides = array<i32>} : memref<65536xf32, #tpu.memory_space<vmem>>, vector<16xf32>,
    } {sc.loop_unroll_factor = 8 : i64, sc.parallel_access}
    %iota3A = tpu.iota {dimensions = array<i32: 0>} : vector<16xi32>
    %mul3A = arith.constant 0 : i32
    %mul3A_3 = vector.broadcast %mul3A : i32 to vector<16xi32>
    %mul3A_4 = arith.muli %iota3A, %mul3A_3 : vector<16xi32>
    %broadcast_in_dim3A_5 = vector.broadcast %arg0 : i32 to vector<16xi32>
    %mul3A_6 = arith.constant 15872 : i32
    %mul3A_7 = arith.muli %arg1, %mul3A_6 : i32
    %scan3A = arith.constant 0 : i32
    %scan3A_8 = arith.constant 0 : i32
    %scan3A_9 = arith.constant 2 : i32
    %scan3A_10 = arith.addi %scan3A_8, %scan3A_9 : i32
    %scan3A_11 = arith.constant 1 : i32
    scf.for %scan3A_13 = %scan3A_8 to %scan3A_10 step %scan3A_11  : i32 {
      %mul3A_14 = arith.constant 7936 : i32
      %mul3A_15 = arith.muli %scan3A_13, %mul3A_14 : i32
      %add3A = arith.addi %mul3A_7, %mul3A_15 : i32
      "tpu.region"() ({
        %run_scoped3A = tpu.sem_alloc : memref<!tpu.dma_semaphore, #tpu.memory_space<semaphore_mem>>
        %dma_start3A = tpu.memref_slice %arg2[%add3A] : memref<253952xi32, #tpu.memory_space<hbm>> -> memref<7936xi32, #tpu.memory_space<hbm>>
        %dma_start3A_19 = tpu.memref_slice %arg2[%add3A] : memref<253952xi32, #tpu.memory_space<hbm>> -> memref<7936xi32, #tpu.memory_space<hbm>>
        tpu.enqueue_dma source(%dma_start3A_19 : memref<7936xi32, #tpu.memory_space<hbm>>) target(%arg9 : memref<7936xi32, #tpu.memory_space<vmem>>) target_semaphore(%run_scoped3A : memref<!tpu.dma_semaphore, #tpu.memory_space<semaphore_mem>>)
        %dma_wait3A = tpu.memref_slice %arg2[%add3A] : memref<253952xi32, #tpu.memory_space<hbm>> -> memref<7936xi32, #tpu.memory_space<hbm>>
        %dma_wait3A_20 = tpu.memref_slice %arg2[%add3A] : memref<253952xi32, #tpu.memory_space<hbm>> -> memref<7936xi32, #tpu.memory_space<hbm>>
        tpu.wait_dma2 semaphore(%run_scoped3A : memref<!tpu.dma_semaphore, #tpu.memory_space<semaphore_mem>>) src(%dma_wait3A_20 : memref<7936xi32, #tpu.memory_space<hbm>>) dst(%arg9 : memref<7936xi32, #tpu.memory_space<vmem>>)
        tpu.yield
      }) : () -> ()
      "tpu.region"() ({
        %run_scoped3A = tpu.sem_alloc : memref<!tpu.dma_semaphore, #tpu.memory_space<semaphore_mem>>
        %dma_start3A = tpu.memref_slice %arg3[%add3A] : memref<253952xf32, #tpu.memory_space<hbm>> -> memref<7936xf32, #tpu.memory_space<hbm>>
        %dma_start3A_19 = tpu.memref_slice %arg3[%add3A] : memref<253952xf32, #tpu.memory_space<hbm>> -> memref<7936xf32, #tpu.memory_space<hbm>>
        tpu.enqueue_dma source(%dma_start3A_19 : memref<7936xf32, #tpu.memory_space<hbm>>) target(%arg10 : memref<7936xf32, #tpu.memory_space<vmem>>) target_semaphore(%run_scoped3A : memref<!tpu.dma_semaphore, #tpu.memory_space<semaphore_mem>>)
        %dma_wait3A = tpu.memref_slice %arg3[%add3A] : memref<253952xf32, #tpu.memory_space<hbm>> -> memref<7936xf32, #tpu.memory_space<hbm>>
        %dma_wait3A_20 = tpu.memref_slice %arg3[%add3A] : memref<253952xf32, #tpu.memory_space<hbm>> -> memref<7936xf32, #tpu.memory_space<hbm>>
        tpu.wait_dma2 semaphore(%run_scoped3A : memref<!tpu.dma_semaphore, #tpu.memory_space<semaphore_mem>>) src(%dma_wait3A_20 : memref<7936xf32, #tpu.memory_space<hbm>>) dst(%arg10 : memref<7936xf32, #tpu.memory_space<vmem>>)
        tpu.yield
      }) : () -> ()
      "tpu.region"() ({
        %run_scoped3A = tpu.sem_alloc : memref<!tpu.dma_semaphore, #tpu.memory_space<semaphore_mem>>
        %dma_start3A = tpu.memref_slice %arg4[%add3A] : memref<253952xf32, #tpu.memory_space<hbm>> -> memref<7936xf32, #tpu.memory_space<hbm>>
        %dma_start3A_19 = tpu.memref_slice %arg4[%add3A] : memref<253952xf32, #tpu.memory_space<hbm>> -> memref<7936xf32, #tpu.memory_space<hbm>>
        tpu.enqueue_dma source(%dma_start3A_19 : memref<7936xf32, #tpu.memory_space<hbm>>) target(%arg11 : memref<7936xf32, #tpu.memory_space<vmem>>) target_semaphore(%run_scoped3A : memref<!tpu.dma_semaphore, #tpu.memory_space<semaphore_mem>>)
        %dma_wait3A = tpu.memref_slice %arg4[%add3A] : memref<253952xf32, #tpu.memory_space<hbm>> -> memref<7936xf32, #tpu.memory_space<hbm>>
        %dma_wait3A_20 = tpu.memref_slice %arg4[%add3A] : memref<253952xf32, #tpu.memory_space<hbm>> -> memref<7936xf32, #tpu.memory_space<hbm>>
        tpu.wait_dma2 semaphore(%run_scoped3A : memref<!tpu.dma_semaphore, #tpu.memory_space<semaphore_mem>>) src(%dma_wait3A_20 : memref<7936xf32, #tpu.memory_space<hbm>>) dst(%arg11 : memref<7936xf32, #tpu.memory_space<vmem>>)
        tpu.yield
      }) : () -> ()
      "tpu.region"() ({
        %run_scoped3A = tpu.sem_alloc : memref<!tpu.dma_semaphore, #tpu.memory_space<semaphore_mem>>
        %dma_start3A = tpu.memref_slice %arg5[%add3A] : memref<253952xf32, #tpu.memory_space<hbm>> -> memref<7936xf32, #tpu.memory_space<hbm>>
        %dma_start3A_19 = tpu.memref_slice %arg5[%add3A] : memref<253952xf32, #tpu.memory_space<hbm>> -> memref<7936xf32, #tpu.memory_space<hbm>>
        tpu.enqueue_dma source(%dma_start3A_19 : memref<7936xf32, #tpu.memory_space<hbm>>) target(%arg12 : memref<7936xf32, #tpu.memory_space<vmem>>) target_semaphore(%run_scoped3A : memref<!tpu.dma_semaphore, #tpu.memory_space<semaphore_mem>>)
        %dma_wait3A = tpu.memref_slice %arg5[%add3A] : memref<253952xf32, #tpu.memory_space<hbm>> -> memref<7936xf32, #tpu.memory_space<hbm>>
        %dma_wait3A_20 = tpu.memref_slice %arg5[%add3A] : memref<253952xf32, #tpu.memory_space<hbm>> -> memref<7936xf32, #tpu.memory_space<hbm>>
        tpu.wait_dma2 semaphore(%run_scoped3A : memref<!tpu.dma_semaphore, #tpu.memory_space<semaphore_mem>>) src(%dma_wait3A_20 : memref<7936xf32, #tpu.memory_space<hbm>>) dst(%arg12 : memref<7936xf32, #tpu.memory_space<vmem>>)
        tpu.yield
      }) : () -> ()
      "tpu.region"() ({
        %run_scoped3A = tpu.sem_alloc : memref<!tpu.dma_semaphore, #tpu.memory_space<semaphore_mem>>
        %dma_start3A = tpu.memref_slice %arg6[%add3A] : memref<253952xf32, #tpu.memory_space<hbm>> -> memref<7936xf32, #tpu.memory_space<hbm>>
        %dma_start3A_19 = tpu.memref_slice %arg6[%add3A] : memref<253952xf32, #tpu.memory_space<hbm>> -> memref<7936xf32, #tpu.memory_space<hbm>>
        tpu.enqueue_dma source(%dma_start3A_19 : memref<7936xf32, #tpu.memory_space<hbm>>) target(%arg13 : memref<7936xf32, #tpu.memory_space<vmem>>) target_semaphore(%run_scoped3A : memref<!tpu.dma_semaphore, #tpu.memory_space<semaphore_mem>>)
        %dma_wait3A = tpu.memref_slice %arg6[%add3A] : memref<253952xf32, #tpu.memory_space<hbm>> -> memref<7936xf32, #tpu.memory_space<hbm>>
        %dma_wait3A_20 = tpu.memref_slice %arg6[%add3A] : memref<253952xf32, #tpu.memory_space<hbm>> -> memref<7936xf32, #tpu.memory_space<hbm>>
        tpu.wait_dma2 semaphore(%run_scoped3A : memref<!tpu.dma_semaphore, #tpu.memory_space<semaphore_mem>>) src(%dma_wait3A_20 : memref<7936xf32, #tpu.memory_space<hbm>>) dst(%arg13 : memref<7936xf32, #tpu.memory_space<vmem>>)
        tpu.yield
      }) : () -> ()
      %parallel_loop3A_16 = arith.constant 0 : i32
      %parallel_loop3A_17 = arith.constant 496 : i32
      %parallel_loop3A_18 = arith.constant 1 : i32
      scf.for %parallel_loop3A_19 = %parallel_loop3A_16 to %parallel_loop3A_17 step %parallel_loop3A_18  : i32 {
        %parallel_loop3A_20 = arith.constant 16 : i32
        %parallel_loop3A_21 = arith.muli %parallel_loop3A_19, %parallel_loop3A_20 : i32
        %parallel_loop3A_22 = arith.index_cast %parallel_loop3A_21 : i32 to index
        %parallel_loop3A_23 = tpu.vector_load %arg9[%parallel_loop3A_22] {strides = array<i32>} : memref<7936xi32, #tpu.memory_space<vmem>>, vector<16xi32>,
        %parallel_loop3A_24 = arith.constant 17 : i32
        %parallel_loop3A_25 = vector.broadcast %parallel_loop3A_24 : i32 to vector<16xi32>
        %parallel_loop3A_26 = arith.shrsi %parallel_loop3A_23, %parallel_loop3A_25 : vector<16xi32>
        %parallel_loop3A_27 = arith.constant 16 : i32
        %parallel_loop3A_28 = vector.broadcast %parallel_loop3A_27 : i32 to vector<16xi32>
        %parallel_loop3A_29 = arith.shrsi %parallel_loop3A_23, %parallel_loop3A_28 : vector<16xi32>
        %parallel_loop3A_30 = arith.constant 1 : i32
        %parallel_loop3A_31 = vector.broadcast %parallel_loop3A_30 : i32 to vector<16xi32>
        %parallel_loop3A_32 = arith.andi %parallel_loop3A_29, %parallel_loop3A_31 : vector<16xi32>
        %parallel_loop3A_33 = arith.cmpi eq, %parallel_loop3A_32, %broadcast_in_dim3A_5 : vector<16xi32>
        %parallel_loop3A_34 = arith.constant 65535 : i32
        %parallel_loop3A_35 = vector.broadcast %parallel_loop3A_34 : i32 to vector<16xi32>
        %parallel_loop3A_36 = arith.andi %parallel_loop3A_23, %parallel_loop3A_35 : vector<16xi32>
        %parallel_loop3A_37 = tpu.vector_load_idx %arg14[%parallel_loop3A_26, %mul3A_4] : memref<40x8xf32, #tpu.memory_space<vmem>>[vector<16xi32>, vector<16xi32>], vector<16xf32>,
        %parallel_loop3A_38 = arith.index_cast %parallel_loop3A_21 : i32 to index
        %parallel_loop3A_39 = tpu.vector_load %arg10[%parallel_loop3A_38] {strides = array<i32>} : memref<7936xf32, #tpu.memory_space<vmem>>, vector<16xf32>,
        %parallel_loop3A_40 = arith.constant 0 : i32
        %parallel_loop3A_41 = vector.broadcast %parallel_loop3A_40 : i32 to vector<16xi32>
        %parallel_loop3A_42 = arith.addi %parallel_loop3A_36, %parallel_loop3A_41 : vector<16xi32>
        %parallel_loop3A_43 = arith.mulf %parallel_loop3A_39, %parallel_loop3A_37 : vector<16xf32>
        tpu.vector_store_idx %arg15[%parallel_loop3A_42], %parallel_loop3A_43 masked %parallel_loop3A_33 {add = true} : memref<65536xf32, #tpu.memory_space<vmem>>[vector<16xi32>], vector<16xf32>, vector<16xi1>
        %parallel_loop3A_44 = arith.index_cast %parallel_loop3A_21 : i32 to index
        %parallel_loop3A_45 = tpu.vector_load %arg11[%parallel_loop3A_44] {strides = array<i32>} : memref<7936xf32, #tpu.memory_space<vmem>>, vector<16xf32>,
        %parallel_loop3A_46 = arith.constant 1 : i32
        %parallel_loop3A_47 = vector.broadcast %parallel_loop3A_46 : i32 to vector<16xi32>
        %parallel_loop3A_48 = arith.addi %parallel_loop3A_36, %parallel_loop3A_47 : vector<16xi32>
        %parallel_loop3A_49 = arith.mulf %parallel_loop3A_45, %parallel_loop3A_37 : vector<16xf32>
        tpu.vector_store_idx %arg15[%parallel_loop3A_48], %parallel_loop3A_49 masked %parallel_loop3A_33 {add = true} : memref<65536xf32, #tpu.memory_space<vmem>>[vector<16xi32>], vector<16xf32>, vector<16xi1>
        %parallel_loop3A_50 = arith.index_cast %parallel_loop3A_21 : i32 to index
        %parallel_loop3A_51 = tpu.vector_load %arg12[%parallel_loop3A_50] {strides = array<i32>} : memref<7936xf32, #tpu.memory_space<vmem>>, vector<16xf32>,
        %parallel_loop3A_52 = arith.constant 2 : i32
        %parallel_loop3A_53 = vector.broadcast %parallel_loop3A_52 : i32 to vector<16xi32>
        %parallel_loop3A_54 = arith.addi %parallel_loop3A_36, %parallel_loop3A_53 : vector<16xi32>
        %parallel_loop3A_55 = arith.mulf %parallel_loop3A_51, %parallel_loop3A_37 : vector<16xf32>
        tpu.vector_store_idx %arg15[%parallel_loop3A_54], %parallel_loop3A_55 masked %parallel_loop3A_33 {add = true} : memref<65536xf32, #tpu.memory_space<vmem>>[vector<16xi32>], vector<16xf32>, vector<16xi1>
        %parallel_loop3A_56 = arith.index_cast %parallel_loop3A_21 : i32 to index
        %parallel_loop3A_57 = tpu.vector_load %arg13[%parallel_loop3A_56] {strides = array<i32>} : memref<7936xf32, #tpu.memory_space<vmem>>, vector<16xf32>,
        %parallel_loop3A_58 = arith.constant 3 : i32
        %parallel_loop3A_59 = vector.broadcast %parallel_loop3A_58 : i32 to vector<16xi32>
        %parallel_loop3A_60 = arith.addi %parallel_loop3A_36, %parallel_loop3A_59 : vector<16xi32>
        %parallel_loop3A_61 = arith.mulf %parallel_loop3A_57, %parallel_loop3A_37 : vector<16xf32>
        tpu.vector_store_idx %arg15[%parallel_loop3A_60], %parallel_loop3A_61 masked %parallel_loop3A_33 {add = true} : memref<65536xf32, #tpu.memory_space<vmem>>[vector<16xi32>], vector<16xf32>, vector<16xi1>
      } {sc.loop_unroll_factor = 4 : i64, sc.parallel_access}
    }
    %scan3A_12 = arith.constant 2 : i32
    "tpu.region"() ({
      %run_scoped3A = tpu.sem_alloc : memref<!tpu.dma_semaphore, #tpu.memory_space<semaphore_mem>>
      %dma_start3A = arith.constant 0 : i32
      %dma_start3A_13 = tpu.memref_slice %arg8[%arg0, %arg1, %dma_start3A] : memref<2x16x65536xf32, #tpu.memory_space<hbm>> -> memref<1x1x65536xf32, #tpu.memory_space<hbm>>
      %dma_start3A_14 = tpu.memref_squeeze %dma_start3A_13 : memref<1x1x65536xf32, #tpu.memory_space<hbm>> -> memref<65536xf32, #tpu.memory_space<hbm>>
      %dma_start3A_15 = arith.constant 0 : i32
      %dma_start3A_16 = tpu.memref_slice %arg8[%arg0, %arg1, %dma_start3A_15] : memref<2x16x65536xf32, #tpu.memory_space<hbm>> -> memref<1x1x65536xf32, #tpu.memory_space<hbm>>
      %dma_start3A_17 = tpu.memref_squeeze %dma_start3A_16 : memref<1x1x65536xf32, #tpu.memory_space<hbm>> -> memref<65536xf32, #tpu.memory_space<hbm>>
      tpu.enqueue_dma source(%arg15 : memref<65536xf32, #tpu.memory_space<vmem>>) target(%dma_start3A_17 : memref<65536xf32, #tpu.memory_space<hbm>>) target_semaphore(%run_scoped3A : memref<!tpu.dma_semaphore, #tpu.memory_space<semaphore_mem>>)
      %dma_wait3A = arith.constant 0 : i32
      %dma_wait3A_18 = tpu.memref_slice %arg8[%arg0, %arg1, %dma_wait3A] : memref<2x16x65536xf32, #tpu.memory_space<hbm>> -> memref<1x1x65536xf32, #tpu.memory_space<hbm>>
      %dma_wait3A_19 = tpu.memref_squeeze %dma_wait3A_18 : memref<1x1x65536xf32, #tpu.memory_space<hbm>> -> memref<65536xf32, #tpu.memory_space<hbm>>
      %dma_wait3A_20 = arith.constant 0 : i32
      %dma_wait3A_21 = tpu.memref_slice %arg8[%arg0, %arg1, %dma_wait3A_20] : memref<2x16x65536xf32, #tpu.memory_space<hbm>> -> memref<1x1x65536xf32, #tpu.memory_space<hbm>>
      %dma_wait3A_22 = tpu.memref_squeeze %dma_wait3A_21 : memref<1x1x65536xf32, #tpu.memory_space<hbm>> -> memref<65536xf32, #tpu.memory_space<hbm>>
      tpu.wait_dma2 semaphore(%run_scoped3A : memref<!tpu.dma_semaphore, #tpu.memory_space<semaphore_mem>>) src(%arg15 : memref<65536xf32, #tpu.memory_space<vmem>>) dst(%dma_wait3A_22 : memref<65536xf32, #tpu.memory_space<hbm>>)
      tpu.yield
    }) : () -> ()
    return
  }
}

module attributes {stable_mosaic.version = 14 : i64} {
  func.func @_tc_prep_kernel(%arg0: i32, %arg1: memref<4x8192xi32, #tpu.memory_space<vmem>>, %arg2: memref<8192xi32, #tpu.memory_space<vmem>>, %arg3: memref<4x8192xf32, #tpu.memory_space<vmem>>, %arg4: memref<8192xi32, #tpu.memory_space<vmem>>, %arg5: memref<8192xf32, #tpu.memory_space<vmem>>, %arg6: memref<8192xf32, #tpu.memory_space<vmem>>, %arg7: memref<8192xf32, #tpu.memory_space<vmem>>, %arg8: memref<8192xf32, #tpu.memory_space<vmem>>) attributes {dimension_semantics = [#tpu.dimension_semantics<arbitrary>], iteration_bounds = array<i64: 31>, scalar_prefetch = 0 : i64, scratch_operands = 0 : i64, tpu.core_type = #tpu.core_type<tc>, window_params = [{transform_indices = @transform_0, window_bounds = array<i64: 4, 8192>}, {transform_indices = @transform_1, window_bounds = array<i64: 8192>}, {transform_indices = @transform_2, window_bounds = array<i64: 4, 8192>}, {transform_indices = @transform_3, window_bounds = array<i64: 8192>}, {transform_indices = @transform_4, window_bounds = array<i64: 8192>}, {transform_indices = @transform_5, window_bounds = array<i64: 8192>}, {transform_indices = @transform_6, window_bounds = array<i64: 8192>}, {transform_indices = @transform_7, window_bounds = array<i64: 8192>}]} {
    %add3A = arith.constant 31 : i32
    %add3A_0 = arith.addi %arg0, %add3A : i32
    %get3A = arith.constant 0 : index
    %get3A_1 = arith.constant 0 : index
    %get3A_2 = vector.load %arg1[%get3A, %get3A_1] : memref<4x8192xi32, #tpu.memory_space<vmem>>, vector<4x8192xi32>
    %slice3A = vector.extract_strided_slice %get3A_2 {offsets = [0, 0], sizes = [1, 8192], strides = [1, 1]} : vector<4x8192xi32> to vector<1x8192xi32>
    %slice3A_3 = vector.extract_strided_slice %get3A_2 {offsets = [1, 0], sizes = [1, 8192], strides = [1, 1]} : vector<4x8192xi32> to vector<1x8192xi32>
    %slice3A_4 = vector.extract_strided_slice %get3A_2 {offsets = [2, 0], sizes = [1, 8192], strides = [1, 1]} : vector<4x8192xi32> to vector<1x8192xi32>
    %slice3A_5 = vector.extract_strided_slice %get3A_2 {offsets = [3, 0], sizes = [1, 8192], strides = [1, 1]} : vector<4x8192xi32> to vector<1x8192xi32>
    %ge3A = arith.constant 4 : i32
    %ge3A_6 = vector.broadcast %ge3A : i32 to vector<1x8192xi32>
    %ge3A_7 = arith.cmpi sge, %slice3A_5, %ge3A_6 : vector<1x8192xi32>
    %convert_element_type3A = arith.extui %ge3A_7 : vector<1x8192xi1> to vector<1x8192xi32>
    %mul3A = arith.constant 8192 : i32
    %mul3A_8 = arith.muli %add3A_0, %mul3A : i32
    %iota3A = tpu.iota {dimensions = array<i32: 1>} : vector<1x8192xi32>
    %add3A_9 = vector.broadcast %mul3A_8 : i32 to vector<1x8192xi32>
    %add3A_10 = arith.addi %add3A_9, %iota3A : vector<1x8192xi32>
    %lt3A = arith.constant 500000 : i32
    %lt3A_11 = vector.broadcast %lt3A : i32 to vector<1x8192xi32>
    %lt3A_12 = arith.cmpi slt, %add3A_10, %lt3A_11 : vector<1x8192xi32>
    %mul3A_13 = arith.constant 131072 : i32
    %mul3A_14 = vector.broadcast %mul3A_13 : i32 to vector<1x8192xi32>
    %mul3A_15 = arith.muli %slice3A_5, %mul3A_14 : vector<1x8192xi32>
    %mul3A_16 = arith.constant 65536 : i32
    %mul3A_17 = vector.broadcast %mul3A_16 : i32 to vector<1x8192xi32>
    %mul3A_18 = arith.muli %convert_element_type3A, %mul3A_17 : vector<1x8192xi32>
    %add3A_19 = arith.addi %mul3A_15, %mul3A_18 : vector<1x8192xi32>
    %mul3A_20 = arith.constant 8192 : i32
    %mul3A_21 = vector.broadcast %mul3A_20 : i32 to vector<1x8192xi32>
    %mul3A_22 = arith.muli %slice3A, %mul3A_21 : vector<1x8192xi32>
    %add3A_23 = arith.addi %add3A_19, %mul3A_22 : vector<1x8192xi32>
    %mul3A_24 = arith.constant 2048 : i32
    %mul3A_25 = vector.broadcast %mul3A_24 : i32 to vector<1x8192xi32>
    %mul3A_26 = arith.muli %slice3A_3, %mul3A_25 : vector<1x8192xi32>
    %add3A_27 = arith.addi %add3A_23, %mul3A_26 : vector<1x8192xi32>
    %mul3A_28 = arith.constant 4 : i32
    %mul3A_29 = vector.broadcast %mul3A_28 : i32 to vector<1x8192xi32>
    %mul3A_30 = arith.muli %slice3A_4, %mul3A_29 : vector<1x8192xi32>
    %add3A_31 = arith.addi %add3A_27, %mul3A_30 : vector<1x8192xi32>
    %jit3A = arith.constant 0 : i32
    %broadcast_in_dim3A = vector.broadcast %jit3A : i32 to vector<1x8192xi32>
    %select_n3A = arith.select %lt3A_12, %add3A_31, %broadcast_in_dim3A : vector<1x8192xi1>, vector<1x8192xi32>
    %get3A_32 = arith.constant 0 : index
    %get3A_33 = arith.constant 0 : index
    %get3A_34 = vector.load %arg3[%get3A_32, %get3A_33] : memref<4x8192xf32, #tpu.memory_space<vmem>>, vector<4x8192xf32>
    %get3A_35 = arith.constant 0 : index
    %get3A_36 = vector.load %arg2[%get3A_35] : memref<8192xi32, #tpu.memory_space<vmem>>, vector<8192xi32>
    %reshape3A = vector.shape_cast %get3A_36 : vector<8192xi32> to vector<1x8192xi32>
    %reshape3A_37 = vector.shape_cast %select_n3A : vector<1x8192xi32> to vector<8192xi32>
    %swap3A = arith.constant 0 : index
    %swap3A_38 = vector.load %arg4[%swap3A] : memref<8192xi32, #tpu.memory_space<vmem>>, vector<8192xi32>
    tpu.vector_store %arg4[%swap3A], %reshape3A_37 {strides = array<i32>} : memref<8192xi32, #tpu.memory_space<vmem>>, vector<8192xi32>,
    %shift_right_arithmetic3A = arith.constant 0 : i32
    %shift_right_arithmetic3A_39 = vector.broadcast %shift_right_arithmetic3A : i32 to vector<1x8192xi32>
    %shift_right_arithmetic3A_40 = arith.shrsi %reshape3A, %shift_right_arithmetic3A_39 : vector<1x8192xi32>
    %and3A = arith.constant 1 : i32
    %and3A_41 = vector.broadcast %and3A : i32 to vector<1x8192xi32>
    %and3A_42 = arith.andi %shift_right_arithmetic3A_40, %and3A_41 : vector<1x8192xi32>
    %convert_element_type3A_43 = arith.sitofp %and3A_42 : vector<1x8192xi32> to vector<1x8192xf32>
    %slice3A_44 = vector.extract_strided_slice %get3A_34 {offsets = [0, 0], sizes = [1, 8192], strides = [1, 1]} : vector<4x8192xf32> to vector<1x8192xf32>
    %max3A = arith.constant 0.000000e+00 : f32
    %max3A_45 = vector.broadcast %max3A : f32 to vector<1x8192xf32>
    %max3A_46 = arith.maximumf %slice3A_44, %max3A_45 : vector<1x8192xf32>
    %mul3A_47 = arith.mulf %max3A_46, %convert_element_type3A_43 : vector<1x8192xf32>
    %jit3A_48 = arith.constant 0.000000e+00 : f32
    %broadcast_in_dim3A_49 = vector.broadcast %jit3A_48 : f32 to vector<1x8192xf32>
    %select_n3A_50 = arith.select %lt3A_12, %mul3A_47, %broadcast_in_dim3A_49 : vector<1x8192xi1>, vector<1x8192xf32>
    %reshape3A_51 = vector.shape_cast %select_n3A_50 : vector<1x8192xf32> to vector<8192xf32>
    %swap3A_52 = arith.constant 0 : index
    %swap3A_53 = vector.load %arg5[%swap3A_52] : memref<8192xf32, #tpu.memory_space<vmem>>, vector<8192xf32>
    tpu.vector_store %arg5[%swap3A_52], %reshape3A_51 {strides = array<i32>} : memref<8192xf32, #tpu.memory_space<vmem>>, vector<8192xf32>,
    %shift_right_arithmetic3A_54 = arith.constant 8 : i32
    %shift_right_arithmetic3A_55 = vector.broadcast %shift_right_arithmetic3A_54 : i32 to vector<1x8192xi32>
    %shift_right_arithmetic3A_56 = arith.shrsi %reshape3A, %shift_right_arithmetic3A_55 : vector<1x8192xi32>
    %and3A_57 = arith.constant 1 : i32
    %and3A_58 = vector.broadcast %and3A_57 : i32 to vector<1x8192xi32>
    %and3A_59 = arith.andi %shift_right_arithmetic3A_56, %and3A_58 : vector<1x8192xi32>
    %convert_element_type3A_60 = arith.sitofp %and3A_59 : vector<1x8192xi32> to vector<1x8192xf32>
    %slice3A_61 = vector.extract_strided_slice %get3A_34 {offsets = [1, 0], sizes = [1, 8192], strides = [1, 1]} : vector<4x8192xf32> to vector<1x8192xf32>
    %max3A_62 = arith.constant 0.000000e+00 : f32
    %max3A_63 = vector.broadcast %max3A_62 : f32 to vector<1x8192xf32>
    %max3A_64 = arith.maximumf %slice3A_61, %max3A_63 : vector<1x8192xf32>
    %mul3A_65 = arith.mulf %max3A_64, %convert_element_type3A_60 : vector<1x8192xf32>
    %jit3A_66 = arith.constant 0.000000e+00 : f32
    %broadcast_in_dim3A_67 = vector.broadcast %jit3A_66 : f32 to vector<1x8192xf32>
    %select_n3A_68 = arith.select %lt3A_12, %mul3A_65, %broadcast_in_dim3A_67 : vector<1x8192xi1>, vector<1x8192xf32>
    %reshape3A_69 = vector.shape_cast %select_n3A_68 : vector<1x8192xf32> to vector<8192xf32>
    %swap3A_70 = arith.constant 0 : index
    %swap3A_71 = vector.load %arg6[%swap3A_70] : memref<8192xf32, #tpu.memory_space<vmem>>, vector<8192xf32>
    tpu.vector_store %arg6[%swap3A_70], %reshape3A_69 {strides = array<i32>} : memref<8192xf32, #tpu.memory_space<vmem>>, vector<8192xf32>,
    %shift_right_arithmetic3A_72 = arith.constant 16 : i32
    %shift_right_arithmetic3A_73 = vector.broadcast %shift_right_arithmetic3A_72 : i32 to vector<1x8192xi32>
    %shift_right_arithmetic3A_74 = arith.shrsi %reshape3A, %shift_right_arithmetic3A_73 : vector<1x8192xi32>
    %and3A_75 = arith.constant 1 : i32
    %and3A_76 = vector.broadcast %and3A_75 : i32 to vector<1x8192xi32>
    %and3A_77 = arith.andi %shift_right_arithmetic3A_74, %and3A_76 : vector<1x8192xi32>
    %convert_element_type3A_78 = arith.sitofp %and3A_77 : vector<1x8192xi32> to vector<1x8192xf32>
    %slice3A_79 = vector.extract_strided_slice %get3A_34 {offsets = [2, 0], sizes = [1, 8192], strides = [1, 1]} : vector<4x8192xf32> to vector<1x8192xf32>
    %max3A_80 = arith.constant 0.000000e+00 : f32
    %max3A_81 = vector.broadcast %max3A_80 : f32 to vector<1x8192xf32>
    %max3A_82 = arith.maximumf %slice3A_79, %max3A_81 : vector<1x8192xf32>
    %mul3A_83 = arith.mulf %max3A_82, %convert_element_type3A_78 : vector<1x8192xf32>
    %jit3A_84 = arith.constant 0.000000e+00 : f32
    %broadcast_in_dim3A_85 = vector.broadcast %jit3A_84 : f32 to vector<1x8192xf32>
    %select_n3A_86 = arith.select %lt3A_12, %mul3A_83, %broadcast_in_dim3A_85 : vector<1x8192xi1>, vector<1x8192xf32>
    %reshape3A_87 = vector.shape_cast %select_n3A_86 : vector<1x8192xf32> to vector<8192xf32>
    %swap3A_88 = arith.constant 0 : index
    %swap3A_89 = vector.load %arg7[%swap3A_88] : memref<8192xf32, #tpu.memory_space<vmem>>, vector<8192xf32>
    tpu.vector_store %arg7[%swap3A_88], %reshape3A_87 {strides = array<i32>} : memref<8192xf32, #tpu.memory_space<vmem>>, vector<8192xf32>,
    %shift_right_arithmetic3A_90 = arith.constant 24 : i32
    %shift_right_arithmetic3A_91 = vector.broadcast %shift_right_arithmetic3A_90 : i32 to vector<1x8192xi32>
    %shift_right_arithmetic3A_92 = arith.shrsi %reshape3A, %shift_right_arithmetic3A_91 : vector<1x8192xi32>
    %and3A_93 = arith.constant 1 : i32
    %and3A_94 = vector.broadcast %and3A_93 : i32 to vector<1x8192xi32>
    %and3A_95 = arith.andi %shift_right_arithmetic3A_92, %and3A_94 : vector<1x8192xi32>
    %convert_element_type3A_96 = arith.sitofp %and3A_95 : vector<1x8192xi32> to vector<1x8192xf32>
    %slice3A_97 = vector.extract_strided_slice %get3A_34 {offsets = [3, 0], sizes = [1, 8192], strides = [1, 1]} : vector<4x8192xf32> to vector<1x8192xf32>
    %max3A_98 = arith.constant 0.000000e+00 : f32
    %max3A_99 = vector.broadcast %max3A_98 : f32 to vector<1x8192xf32>
    %max3A_100 = arith.maximumf %slice3A_97, %max3A_99 : vector<1x8192xf32>
    %mul3A_101 = arith.mulf %max3A_100, %convert_element_type3A_96 : vector<1x8192xf32>
    %jit3A_102 = arith.constant 0.000000e+00 : f32
    %broadcast_in_dim3A_103 = vector.broadcast %jit3A_102 : f32 to vector<1x8192xf32>
    %select_n3A_104 = arith.select %lt3A_12, %mul3A_101, %broadcast_in_dim3A_103 : vector<1x8192xi1>, vector<1x8192xf32>
    %reshape3A_105 = vector.shape_cast %select_n3A_104 : vector<1x8192xf32> to vector<8192xf32>
    %swap3A_106 = arith.constant 0 : index
    %swap3A_107 = vector.load %arg8[%swap3A_106] : memref<8192xf32, #tpu.memory_space<vmem>>, vector<8192xf32>
    tpu.vector_store %arg8[%swap3A_106], %reshape3A_105 {strides = array<i32>} : memref<8192xf32, #tpu.memory_space<vmem>>, vector<8192xf32>,
    return
  }
  func.func @transform_0(%arg0: i32) -> (i32, i32) {
    %add3A = arith.constant 31 : i32
    %add3A_0 = arith.addi %arg0, %add3A : i32
    %c0_i32 = arith.constant 0 : i32
    %c0_i32_1 = arith.constant 0 : i32
    return %c0_i32, %add3A_0 : i32, i32
  }
  func.func @transform_1(%arg0: i32) -> i32 {
    %add3A = arith.constant 31 : i32
    %add3A_0 = arith.addi %arg0, %add3A : i32
    %c0_i32 = arith.constant 0 : i32
    return %add3A_0 : i32
  }
  func.func @transform_2(%arg0: i32) -> (i32, i32) {
    %add3A = arith.constant 31 : i32
    %add3A_0 = arith.addi %arg0, %add3A : i32
    %c0_i32 = arith.constant 0 : i32
    %c0_i32_1 = arith.constant 0 : i32
    return %c0_i32, %add3A_0 : i32, i32
  }
  func.func @transform_3(%arg0: i32) -> i32 {
    %c0_i32 = arith.constant 0 : i32
    return %arg0 : i32
  }
  func.func @transform_4(%arg0: i32) -> i32 {
    %c0_i32 = arith.constant 0 : i32
    return %arg0 : i32
  }
  func.func @transform_5(%arg0: i32) -> i32 {
    %c0_i32 = arith.constant 0 : i32
    return %arg0 : i32
  }
  func.func @transform_6(%arg0: i32) -> i32 {
    %c0_i32 = arith.constant 0 : i32
    return %arg0 : i32
  }
  func.func @transform_7(%arg0: i32) -> i32 {
    %c0_i32 = arith.constant 0 : i32
    return %arg0 : i32
  }
}

module attributes {stable_mosaic.version = 14 : i64} {
  func.func @_tc_prep_kernel(%arg0: i32, %arg1: memref<4x8192xi32, #tpu.memory_space<vmem>>, %arg2: memref<8192xi32, #tpu.memory_space<vmem>>, %arg3: memref<4x8192xf32, #tpu.memory_space<vmem>>, %arg4: memref<8192xi32, #tpu.memory_space<vmem>>, %arg5: memref<8192xf32, #tpu.memory_space<vmem>>, %arg6: memref<8192xf32, #tpu.memory_space<vmem>>, %arg7: memref<8192xf32, #tpu.memory_space<vmem>>, %arg8: memref<8192xf32, #tpu.memory_space<vmem>>) attributes {dimension_semantics = [#tpu.dimension_semantics<arbitrary>], iteration_bounds = array<i64: 31>, scalar_prefetch = 0 : i64, scratch_operands = 0 : i64, tpu.core_type = #tpu.core_type<tc>, window_params = [{transform_indices = @transform_0, window_bounds = array<i64: 4, 8192>}, {transform_indices = @transform_1, window_bounds = array<i64: 8192>}, {transform_indices = @transform_2, window_bounds = array<i64: 4, 8192>}, {transform_indices = @transform_3, window_bounds = array<i64: 8192>}, {transform_indices = @transform_4, window_bounds = array<i64: 8192>}, {transform_indices = @transform_5, window_bounds = array<i64: 8192>}, {transform_indices = @transform_6, window_bounds = array<i64: 8192>}, {transform_indices = @transform_7, window_bounds = array<i64: 8192>}]} {
    %add3A = arith.constant 0 : i32
    %add3A_0 = arith.addi %arg0, %add3A : i32
    %get3A = arith.constant 0 : index
    %get3A_1 = arith.constant 0 : index
    %get3A_2 = vector.load %arg1[%get3A, %get3A_1] : memref<4x8192xi32, #tpu.memory_space<vmem>>, vector<4x8192xi32>
    %slice3A = vector.extract_strided_slice %get3A_2 {offsets = [0, 0], sizes = [1, 8192], strides = [1, 1]} : vector<4x8192xi32> to vector<1x8192xi32>
    %slice3A_3 = vector.extract_strided_slice %get3A_2 {offsets = [1, 0], sizes = [1, 8192], strides = [1, 1]} : vector<4x8192xi32> to vector<1x8192xi32>
    %slice3A_4 = vector.extract_strided_slice %get3A_2 {offsets = [2, 0], sizes = [1, 8192], strides = [1, 1]} : vector<4x8192xi32> to vector<1x8192xi32>
    %slice3A_5 = vector.extract_strided_slice %get3A_2 {offsets = [3, 0], sizes = [1, 8192], strides = [1, 1]} : vector<4x8192xi32> to vector<1x8192xi32>
    %ge3A = arith.constant 4 : i32
    %ge3A_6 = vector.broadcast %ge3A : i32 to vector<1x8192xi32>
    %ge3A_7 = arith.cmpi sge, %slice3A_5, %ge3A_6 : vector<1x8192xi32>
    %convert_element_type3A = arith.extui %ge3A_7 : vector<1x8192xi1> to vector<1x8192xi32>
    %mul3A = arith.constant 8192 : i32
    %mul3A_8 = arith.muli %add3A_0, %mul3A : i32
    %iota3A = tpu.iota {dimensions = array<i32: 1>} : vector<1x8192xi32>
    %add3A_9 = vector.broadcast %mul3A_8 : i32 to vector<1x8192xi32>
    %add3A_10 = arith.addi %add3A_9, %iota3A : vector<1x8192xi32>
    %lt3A = arith.constant 500000 : i32
    %lt3A_11 = vector.broadcast %lt3A : i32 to vector<1x8192xi32>
    %lt3A_12 = arith.cmpi slt, %add3A_10, %lt3A_11 : vector<1x8192xi32>
    %mul3A_13 = arith.constant 131072 : i32
    %mul3A_14 = vector.broadcast %mul3A_13 : i32 to vector<1x8192xi32>
    %mul3A_15 = arith.muli %slice3A_5, %mul3A_14 : vector<1x8192xi32>
    %mul3A_16 = arith.constant 65536 : i32
    %mul3A_17 = vector.broadcast %mul3A_16 : i32 to vector<1x8192xi32>
    %mul3A_18 = arith.muli %convert_element_type3A, %mul3A_17 : vector<1x8192xi32>
    %add3A_19 = arith.addi %mul3A_15, %mul3A_18 : vector<1x8192xi32>
    %mul3A_20 = arith.constant 8192 : i32
    %mul3A_21 = vector.broadcast %mul3A_20 : i32 to vector<1x8192xi32>
    %mul3A_22 = arith.muli %slice3A, %mul3A_21 : vector<1x8192xi32>
    %add3A_23 = arith.addi %add3A_19, %mul3A_22 : vector<1x8192xi32>
    %mul3A_24 = arith.constant 2048 : i32
    %mul3A_25 = vector.broadcast %mul3A_24 : i32 to vector<1x8192xi32>
    %mul3A_26 = arith.muli %slice3A_3, %mul3A_25 : vector<1x8192xi32>
    %add3A_27 = arith.addi %add3A_23, %mul3A_26 : vector<1x8192xi32>
    %mul3A_28 = arith.constant 4 : i32
    %mul3A_29 = vector.broadcast %mul3A_28 : i32 to vector<1x8192xi32>
    %mul3A_30 = arith.muli %slice3A_4, %mul3A_29 : vector<1x8192xi32>
    %add3A_31 = arith.addi %add3A_27, %mul3A_30 : vector<1x8192xi32>
    %jit3A = arith.constant 0 : i32
    %broadcast_in_dim3A = vector.broadcast %jit3A : i32 to vector<1x8192xi32>
    %select_n3A = arith.select %lt3A_12, %add3A_31, %broadcast_in_dim3A : vector<1x8192xi1>, vector<1x8192xi32>
    %get3A_32 = arith.constant 0 : index
    %get3A_33 = arith.constant 0 : index
    %get3A_34 = vector.load %arg3[%get3A_32, %get3A_33] : memref<4x8192xf32, #tpu.memory_space<vmem>>, vector<4x8192xf32>
    %get3A_35 = arith.constant 0 : index
    %get3A_36 = vector.load %arg2[%get3A_35] : memref<8192xi32, #tpu.memory_space<vmem>>, vector<8192xi32>
    %reshape3A = vector.shape_cast %get3A_36 : vector<8192xi32> to vector<1x8192xi32>
    %reshape3A_37 = vector.shape_cast %select_n3A : vector<1x8192xi32> to vector<8192xi32>
    %swap3A = arith.constant 0 : index
    %swap3A_38 = vector.load %arg4[%swap3A] : memref<8192xi32, #tpu.memory_space<vmem>>, vector<8192xi32>
    tpu.vector_store %arg4[%swap3A], %reshape3A_37 {strides = array<i32>} : memref<8192xi32, #tpu.memory_space<vmem>>, vector<8192xi32>,
    %shift_right_arithmetic3A = arith.constant 0 : i32
    %shift_right_arithmetic3A_39 = vector.broadcast %shift_right_arithmetic3A : i32 to vector<1x8192xi32>
    %shift_right_arithmetic3A_40 = arith.shrsi %reshape3A, %shift_right_arithmetic3A_39 : vector<1x8192xi32>
    %and3A = arith.constant 1 : i32
    %and3A_41 = vector.broadcast %and3A : i32 to vector<1x8192xi32>
    %and3A_42 = arith.andi %shift_right_arithmetic3A_40, %and3A_41 : vector<1x8192xi32>
    %convert_element_type3A_43 = arith.sitofp %and3A_42 : vector<1x8192xi32> to vector<1x8192xf32>
    %slice3A_44 = vector.extract_strided_slice %get3A_34 {offsets = [0, 0], sizes = [1, 8192], strides = [1, 1]} : vector<4x8192xf32> to vector<1x8192xf32>
    %max3A = arith.constant 0.000000e+00 : f32
    %max3A_45 = vector.broadcast %max3A : f32 to vector<1x8192xf32>
    %max3A_46 = arith.maximumf %slice3A_44, %max3A_45 : vector<1x8192xf32>
    %mul3A_47 = arith.mulf %max3A_46, %convert_element_type3A_43 : vector<1x8192xf32>
    %jit3A_48 = arith.constant 0.000000e+00 : f32
    %broadcast_in_dim3A_49 = vector.broadcast %jit3A_48 : f32 to vector<1x8192xf32>
    %select_n3A_50 = arith.select %lt3A_12, %mul3A_47, %broadcast_in_dim3A_49 : vector<1x8192xi1>, vector<1x8192xf32>
    %reshape3A_51 = vector.shape_cast %select_n3A_50 : vector<1x8192xf32> to vector<8192xf32>
    %swap3A_52 = arith.constant 0 : index
    %swap3A_53 = vector.load %arg5[%swap3A_52] : memref<8192xf32, #tpu.memory_space<vmem>>, vector<8192xf32>
    tpu.vector_store %arg5[%swap3A_52], %reshape3A_51 {strides = array<i32>} : memref<8192xf32, #tpu.memory_space<vmem>>, vector<8192xf32>,
    %shift_right_arithmetic3A_54 = arith.constant 8 : i32
    %shift_right_arithmetic3A_55 = vector.broadcast %shift_right_arithmetic3A_54 : i32 to vector<1x8192xi32>
    %shift_right_arithmetic3A_56 = arith.shrsi %reshape3A, %shift_right_arithmetic3A_55 : vector<1x8192xi32>
    %and3A_57 = arith.constant 1 : i32
    %and3A_58 = vector.broadcast %and3A_57 : i32 to vector<1x8192xi32>
    %and3A_59 = arith.andi %shift_right_arithmetic3A_56, %and3A_58 : vector<1x8192xi32>
    %convert_element_type3A_60 = arith.sitofp %and3A_59 : vector<1x8192xi32> to vector<1x8192xf32>
    %slice3A_61 = vector.extract_strided_slice %get3A_34 {offsets = [1, 0], sizes = [1, 8192], strides = [1, 1]} : vector<4x8192xf32> to vector<1x8192xf32>
    %max3A_62 = arith.constant 0.000000e+00 : f32
    %max3A_63 = vector.broadcast %max3A_62 : f32 to vector<1x8192xf32>
    %max3A_64 = arith.maximumf %slice3A_61, %max3A_63 : vector<1x8192xf32>
    %mul3A_65 = arith.mulf %max3A_64, %convert_element_type3A_60 : vector<1x8192xf32>
    %jit3A_66 = arith.constant 0.000000e+00 : f32
    %broadcast_in_dim3A_67 = vector.broadcast %jit3A_66 : f32 to vector<1x8192xf32>
    %select_n3A_68 = arith.select %lt3A_12, %mul3A_65, %broadcast_in_dim3A_67 : vector<1x8192xi1>, vector<1x8192xf32>
    %reshape3A_69 = vector.shape_cast %select_n3A_68 : vector<1x8192xf32> to vector<8192xf32>
    %swap3A_70 = arith.constant 0 : index
    %swap3A_71 = vector.load %arg6[%swap3A_70] : memref<8192xf32, #tpu.memory_space<vmem>>, vector<8192xf32>
    tpu.vector_store %arg6[%swap3A_70], %reshape3A_69 {strides = array<i32>} : memref<8192xf32, #tpu.memory_space<vmem>>, vector<8192xf32>,
    %shift_right_arithmetic3A_72 = arith.constant 16 : i32
    %shift_right_arithmetic3A_73 = vector.broadcast %shift_right_arithmetic3A_72 : i32 to vector<1x8192xi32>
    %shift_right_arithmetic3A_74 = arith.shrsi %reshape3A, %shift_right_arithmetic3A_73 : vector<1x8192xi32>
    %and3A_75 = arith.constant 1 : i32
    %and3A_76 = vector.broadcast %and3A_75 : i32 to vector<1x8192xi32>
    %and3A_77 = arith.andi %shift_right_arithmetic3A_74, %and3A_76 : vector<1x8192xi32>
    %convert_element_type3A_78 = arith.sitofp %and3A_77 : vector<1x8192xi32> to vector<1x8192xf32>
    %slice3A_79 = vector.extract_strided_slice %get3A_34 {offsets = [2, 0], sizes = [1, 8192], strides = [1, 1]} : vector<4x8192xf32> to vector<1x8192xf32>
    %max3A_80 = arith.constant 0.000000e+00 : f32
    %max3A_81 = vector.broadcast %max3A_80 : f32 to vector<1x8192xf32>
    %max3A_82 = arith.maximumf %slice3A_79, %max3A_81 : vector<1x8192xf32>
    %mul3A_83 = arith.mulf %max3A_82, %convert_element_type3A_78 : vector<1x8192xf32>
    %jit3A_84 = arith.constant 0.000000e+00 : f32
    %broadcast_in_dim3A_85 = vector.broadcast %jit3A_84 : f32 to vector<1x8192xf32>
    %select_n3A_86 = arith.select %lt3A_12, %mul3A_83, %broadcast_in_dim3A_85 : vector<1x8192xi1>, vector<1x8192xf32>
    %reshape3A_87 = vector.shape_cast %select_n3A_86 : vector<1x8192xf32> to vector<8192xf32>
    %swap3A_88 = arith.constant 0 : index
    %swap3A_89 = vector.load %arg7[%swap3A_88] : memref<8192xf32, #tpu.memory_space<vmem>>, vector<8192xf32>
    tpu.vector_store %arg7[%swap3A_88], %reshape3A_87 {strides = array<i32>} : memref<8192xf32, #tpu.memory_space<vmem>>, vector<8192xf32>,
    %shift_right_arithmetic3A_90 = arith.constant 24 : i32
    %shift_right_arithmetic3A_91 = vector.broadcast %shift_right_arithmetic3A_90 : i32 to vector<1x8192xi32>
    %shift_right_arithmetic3A_92 = arith.shrsi %reshape3A, %shift_right_arithmetic3A_91 : vector<1x8192xi32>
    %and3A_93 = arith.constant 1 : i32
    %and3A_94 = vector.broadcast %and3A_93 : i32 to vector<1x8192xi32>
    %and3A_95 = arith.andi %shift_right_arithmetic3A_92, %and3A_94 : vector<1x8192xi32>
    %convert_element_type3A_96 = arith.sitofp %and3A_95 : vector<1x8192xi32> to vector<1x8192xf32>
    %slice3A_97 = vector.extract_strided_slice %get3A_34 {offsets = [3, 0], sizes = [1, 8192], strides = [1, 1]} : vector<4x8192xf32> to vector<1x8192xf32>
    %max3A_98 = arith.constant 0.000000e+00 : f32
    %max3A_99 = vector.broadcast %max3A_98 : f32 to vector<1x8192xf32>
    %max3A_100 = arith.maximumf %slice3A_97, %max3A_99 : vector<1x8192xf32>
    %mul3A_101 = arith.mulf %max3A_100, %convert_element_type3A_96 : vector<1x8192xf32>
    %jit3A_102 = arith.constant 0.000000e+00 : f32
    %broadcast_in_dim3A_103 = vector.broadcast %jit3A_102 : f32 to vector<1x8192xf32>
    %select_n3A_104 = arith.select %lt3A_12, %mul3A_101, %broadcast_in_dim3A_103 : vector<1x8192xi1>, vector<1x8192xf32>
    %reshape3A_105 = vector.shape_cast %select_n3A_104 : vector<1x8192xf32> to vector<8192xf32>
    %swap3A_106 = arith.constant 0 : index
    %swap3A_107 = vector.load %arg8[%swap3A_106] : memref<8192xf32, #tpu.memory_space<vmem>>, vector<8192xf32>
    tpu.vector_store %arg8[%swap3A_106], %reshape3A_105 {strides = array<i32>} : memref<8192xf32, #tpu.memory_space<vmem>>, vector<8192xf32>,
    return
  }
  func.func @transform_0(%arg0: i32) -> (i32, i32) {
    %add3A = arith.constant 0 : i32
    %add3A_0 = arith.addi %arg0, %add3A : i32
    %c0_i32 = arith.constant 0 : i32
    %c0_i32_1 = arith.constant 0 : i32
    return %c0_i32, %add3A_0 : i32, i32
  }
  func.func @transform_1(%arg0: i32) -> i32 {
    %add3A = arith.constant 0 : i32
    %add3A_0 = arith.addi %arg0, %add3A : i32
    %c0_i32 = arith.constant 0 : i32
    return %add3A_0 : i32
  }
  func.func @transform_2(%arg0: i32) -> (i32, i32) {
    %add3A = arith.constant 0 : i32
    %add3A_0 = arith.addi %arg0, %add3A : i32
    %c0_i32 = arith.constant 0 : i32
    %c0_i32_1 = arith.constant 0 : i32
    return %c0_i32, %add3A_0 : i32, i32
  }
  func.func @transform_3(%arg0: i32) -> i32 {
    %c0_i32 = arith.constant 0 : i32
    return %arg0 : i32
  }
  func.func @transform_4(%arg0: i32) -> i32 {
    %c0_i32 = arith.constant 0 : i32
    return %arg0 : i32
  }
  func.func @transform_5(%arg0: i32) -> i32 {
    %c0_i32 = arith.constant 0 : i32
    return %arg0 : i32
  }
  func.func @transform_6(%arg0: i32) -> i32 {
    %c0_i32 = arith.constant 0 : i32
    return %arg0 : i32
  }
  func.func @transform_7(%arg0: i32) -> i32 {
    %c0_i32 = arith.constant 0 : i32
    return %arg0 : i32
  }
}

module attributes {stable_mosaic.version = 14 : i64} {
  func.func @_tc_reduce_kernel(%arg0: i32, %arg1: memref<2x16x8192xf32, #tpu.memory_space<vmem>>, %arg2: memref<2x16x8192xf32, #tpu.memory_space<vmem>>, %arg3: memref<1x1xf32, #tpu.memory_space<smem>>, %arg4: memref<2x8192xf32, #tpu.memory_space<vmem>>) attributes {dimension_semantics = [#tpu.dimension_semantics<arbitrary>], iteration_bounds = array<i64: 8>, scalar_prefetch = 0 : i64, scratch_operands = 0 : i64, tpu.core_type = #tpu.core_type<tc>, window_params = [{transform_indices = @transform_0, window_bounds = array<i64: 2, 16, 8192>}, {transform_indices = @transform_1, window_bounds = array<i64: 2, 16, 8192>}, {transform_indices = @transform_2, window_bounds = array<i64: 1, 1>}, {transform_indices = @transform_3, window_bounds = array<i64: 2, 8192>}]} {
    %get3A = arith.constant 0 : index
    %get3A_0 = arith.constant 0 : index
    %get3A_1 = memref.load %arg3[%get3A, %get3A_0] : memref<1x1xf32, #tpu.memory_space<smem>>
    %tanh3A = math.tanh %get3A_1 : f32
    %sub3A = arith.constant 1.000000e+00 : f32
    %sub3A_2 = arith.subf %sub3A, %tanh3A : f32
    %mul3A = arith.constant 3.000000e-01 : f32
    %mul3A_3 = arith.mulf %sub3A_2, %mul3A : f32
    %get3A_4 = arith.constant 0 : index
    %get3A_5 = arith.constant 0 : index
    %get3A_6 = arith.constant 0 : index
    %get3A_7 = vector.load %arg1[%get3A_4, %get3A_5, %get3A_6] : memref<2x16x8192xf32, #tpu.memory_space<vmem>>, vector<2x16x8192xf32>
    %reduce_sum3A = arith.constant dense<0.000000e+00> : vector<2x8192xf32>
    %reduce_sum3A_8 = vector.multi_reduction <add>, %get3A_7, %reduce_sum3A [1] : vector<2x16x8192xf32> to vector<2x8192xf32>
    %get3A_9 = arith.constant 0 : index
    %get3A_10 = arith.constant 0 : index
    %get3A_11 = arith.constant 0 : index
    %get3A_12 = vector.load %arg2[%get3A_9, %get3A_10, %get3A_11] : memref<2x16x8192xf32, #tpu.memory_space<vmem>>, vector<2x16x8192xf32>
    %reduce_sum3A_13 = arith.constant dense<0.000000e+00> : vector<2x8192xf32>
    %reduce_sum3A_14 = vector.multi_reduction <add>, %get3A_12, %reduce_sum3A_13 [1] : vector<2x16x8192xf32> to vector<2x8192xf32>
    %add3A = arith.addf %reduce_sum3A_8, %reduce_sum3A_14 : vector<2x8192xf32>
    %mul3A_15 = vector.broadcast %mul3A_3 : f32 to vector<2x8192xf32>
    %mul3A_16 = arith.mulf %add3A, %mul3A_15 : vector<2x8192xf32>
    %swap3A = arith.constant 0 : index
    %swap3A_17 = arith.constant 0 : index
    %swap3A_18 = vector.load %arg4[%swap3A, %swap3A_17] : memref<2x8192xf32, #tpu.memory_space<vmem>>, vector<2x8192xf32>
    tpu.vector_store %arg4[%swap3A, %swap3A_17], %mul3A_16 {strides = array<i32>} : memref<2x8192xf32, #tpu.memory_space<vmem>>, vector<2x8192xf32>,
    return
  }
  func.func @transform_0(%arg0: i32) -> (i32, i32, i32) {
    %c0_i32 = arith.constant 0 : i32
    %c0_i32_0 = arith.constant 0 : i32
    %c0_i32_1 = arith.constant 0 : i32
    return %c0_i32, %c0_i32_0, %arg0 : i32, i32, i32
  }
  func.func @transform_1(%arg0: i32) -> (i32, i32, i32) {
    %c0_i32 = arith.constant 0 : i32
    %c0_i32_0 = arith.constant 0 : i32
    %c0_i32_1 = arith.constant 0 : i32
    return %c0_i32, %c0_i32_0, %arg0 : i32, i32, i32
  }
  func.func @transform_2(%arg0: i32) -> (i32, i32) {
    %c0_i32 = arith.constant 0 : i32
    %c0_i32_0 = arith.constant 0 : i32
    %c0_i32_1 = arith.constant 0 : i32
    return %c0_i32, %c0_i32_0 : i32, i32
  }
  func.func @transform_3(%arg0: i32) -> (i32, i32) {
    %c0_i32 = arith.constant 0 : i32
    %c0_i32_0 = arith.constant 0 : i32
    return %c0_i32, %arg0 : i32, i32
  }
}

</mosaic_0001>

<sc_bundles>
// kernel: kernel.10.cloned.1.call-start
scs
__scs_entry_jumppad:
0x0: {  	(pc) =	sbr.rel $0x88, $3  }
0x1: {  	(tag) =	ssettag $0x0;
	lr =	simm.s32 $0x1  }
0x2: {  	[smem:$0x3F9C] =	sst lr;
	_ =	strace $0xD0000000  }
0x3: {  	_ = 	snop  }
0x4: {  	_ = 	snop  }
0x5: {  	_ = 	snop  }
0x6: {  	_ = 	snop  }
0x7: {  	_ = 	snop  }
__scs_overlays_trampoline_lowered:
0x8: {  	[smem:$0x3FAB] =	sst s0  }
0x9: {  	[smem:$0x3FAC] =	sst s1  }
0xa: {  	[smem:$0x3FAD] =	sst s2  }
0xb: {  	[smem:$0x3FAE] =	sst s3  }
0xc: {  	[smem:$0x3FAF] =	sst s4  }
0xd: {  	[smem:$0x3FB0] =	sst s5  }
0xe: {  	[smem:$0x3FB1] =	sst s6  }
0xf: {  	[smem:$0x3FB2] =	sst s7  }
0x10: {  	[smem:$0x3FB3] =	sst s8  }
0x11: {  	[smem:$0x3FB4] =	sst s9;
	s0 =	simm.s32 @!p0 $0x0  }
0x12: {  	s1 =	sld [smem:$0x3F9A];
	s0 =	simm.s32 @p0 $0x1  }
0x13: {  	[smem:$0x3FB5] =	sst s0;
	s0 =	simm.s32 @!p1 $0x0  }
0x14: {  	s2 =	sld [smem:$0x3F99];
	s0 =	simm.s32 @p1 $0x1  }
0x15: {  	[smem:$0x3FB6] =	sst s0;
	s0 =	simm.s32 @!p2 $0x0  }
0x16: {  	s3 =	sld [smem:$0x3FDB];
	s0 =	simm.s32 @p2 $0x1  }
0x17: {  	s4 =	simm.s32 $0x1BF5;
	[smem:$0x3FB8] =	sst s0  }
0x18: {  	s0 =	sld [smem:$0x3F9B];
	_ =	swait.ge [sflag:s4], $0x0  }
0x19: {  	s7 =	sld [smem:$0x3F9C]  }
0x1a: {  	s8 =	sadd.s32 $0xFFFFE003, lr  }
0x1b: {  	s9 =	sadd.s32 $0xFFFFFEF7, lr;
	s5 =	simm.s32 $0xFFFFFFFF;
	p2 =	slt.u32 s8, $0xFFFFF086  }
0x1c: {  	p1 =	slt.u32 s9, $0xF7A;
	s5 =	simm.s32 @!p2 $0x0  }
0x1d: {  	s5 =	simm.s32 @p1 $0x1;
	p0 =	seq.s32 s7, s2  }
0x1e: {  	s7 =	smul.u32 @!p0 $0xF7A, s2;
	p2 =	seq.s32 @!p0 s5, $0x0  }
0x1f: {  	s9 =	smul.u32 $0xF7A, s1;
	s8 =	simm.s32 @!p0 $0x1BF5;
	p2 =	por !p2, p0  }
0x20: {  	[sflag:s8] =	ssyncset.s32 @!p0 $0xFFFFF086;
	s6 =	sadd.s32 @!p0 s3, s7;
	s7 =	simm.s32 @!p0 $0x108  }
0x21: {  	s3 =	sadd.s32 s3, s9;
	s6 =	sadd.s32 @!p0 $0x88, s6;
	s7 =	simm.s32 @p2 $0x1082  }
0x22: {  	[simem:s7], [sflag:s8] =	dma.local @!p0 [hbm:s6], $0xF7A  }
0x23: {  	s9 =	sor.u32 $0xD0000000, s2;
	s6 =	simm.s32 $0x108;
	_ =	swait.ge @!p0 [sflag:s8], $0x0  }
0x24: {  	s3 =	sadd.s32 $0x88, s3;
	s6 =	simm.s32 @!p1 $0x1082;
	[sflag:s4] =	ssyncset.s32 $0xFFFFF086  }
0x25: {  	[simem:s6], [sflag:s4] =	dma.local [hbm:s3], $0xF7A  }
0x26: {  	[smem:$0x3F9C] =	sst s1;
	(tag) =	ssettag s2;
	_ =	strace s9  }
0x27: {  	s1 =	sld [smem:$0x3FAC]  }
0x28: {  	s2 =	sld [smem:$0x3FAD]  }
0x29: {  	s4 =	sld [smem:$0x3FAF]  }
0x2a: {  	p0 =	seq.s32 s5, $0x0;
	s5 =	sld [smem:$0x3FB0]  }
0x2b: {  	s6 =	sld [smem:$0x3FB1]  }
0x2c: {  	s7 =	sld [smem:$0x3FB2]  }
0x2d: {  	s3 =	simm.s32 $0x108;
	s8 =	sld [smem:$0x3FB3]  }
0x2e: {  	s3 =	simm.s32 @!p0 $0x1082;
	s9 =	sld [smem:$0x3FB4]  }
0x2f: {  	lr =	sadd.s32 s0, s3;
	s0 =	sld [smem:$0x3FAB]  }
0x30: {  	s3 =	sld [smem:$0x3FAE]  }
0x31: {  	[smem:$0x3FB7] =	sst s10  }
0x32: {  	s10 =	sld [smem:$0x3FB5];
	_ =	sdelay $0x3  }
0x33: {  	p0 =	seq.s32 s10, $0x1;
	s10 =	sld [smem:$0x3FB7];
	_ =	sdelay $0x3  }
0x34: {  	[smem:$0x3FB7] =	sst s10  }
0x35: {  	s10 =	sld [smem:$0x3FB6];
	_ =	sdelay $0x3  }
0x36: {  	p1 =	seq.s32 s10, $0x1;
	s10 =	sld [smem:$0x3FB7];
	_ =	sdelay $0x3  }
0x37: {  	[smem:$0x3FB7] =	sst s10  }
0x38: {  	s10 =	sld [smem:$0x3FB8]  }
0x39: {  	_ = 	snop;
	(pc) =	sbr.ind lr, $3  }
0x3a: {  	_ = 	snop  }
0x3b: {  	_ = 	snop  }
0x3c: {  	p2 =	seq.s32 s10, $0x1;
	s10 =	sld [smem:$0x3FB7]  }
0x3d: {  	_ =	shalt  }
0x3e: {  	_ =	shalt  }
0x3f: {  	_ =	shalt  }
0x40: {  	_ =	shalt  }
0x41: {  	_ =	shalt  }
0x42: {  	_ =	shalt  }
0x43: {  	_ =	shalt  }
0x44: {  	_ =	shalt  }
0x45: {  	_ =	shalt  }
0x46: {  	_ =	shalt  }
0x47: {  	_ =	shalt  }
0x48: {  	_ =	shalt  }
0x49: {  	_ =	shalt  }
0x4a: {  	_ =	shalt  }
0x4b: {  	_ =	shalt  }
0x4c: {  	_ =	shalt  }
0x4d: {  	_ =	shalt  }
0x4e: {  	_ =	shalt  }
0x4f: {  	_ =	shalt  }
0x50: {  	_ =	shalt  }
0x51: {  	_ =	shalt  }
0x52: {  	_ =	shalt  }
0x53: {  	_ =	shalt  }
0x54: {  	_ =	shalt  }
0x55: {  	_ =	shalt  }
0x56: {  	_ =	shalt  }
0x57: {  	_ =	shalt  }
0x58: {  	_ =	shalt  }
0x59: {  	_ =	shalt  }
0x5a: {  	_ =	shalt  }
0x5b: {  	_ =	shalt  }
0x5c: {  	_ =	shalt  }
0x5d: {  	_ =	shalt  }
0x5e: {  	_ =	shalt  }
0x5f: {  	_ =	shalt  }
0x60: {  	_ =	shalt  }
0x61: {  	_ =	shalt  }
0x62: {  	_ =	shalt  }
0x63: {  	_ =	shalt  }
0x64: {  	_ =	shalt  }
0x65: {  	_ =	shalt  }
0x66: {  	_ =	shalt  }
0x67: {  	_ =	shalt  }
0x68: {  	_ =	shalt  }
0x69: {  	_ =	shalt  }
0x6a: {  	_ =	shalt  }
0x6b: {  	_ =	shalt  }
0x6c: {  	_ =	shalt  }
0x6d: {  	_ =	shalt  }
0x6e: {  	_ =	shalt  }
0x6f: {  	_ =	shalt  }
0x70: {  	_ =	shalt  }
0x71: {  	_ =	shalt  }
0x72: {  	_ =	shalt  }
0x73: {  	_ =	shalt  }
0x74: {  	_ =	shalt  }
0x75: {  	_ =	shalt  }
0x76: {  	_ =	shalt  }
0x77: {  	_ =	shalt  }
0x78: {  	_ =	shalt  }
0x79: {  	_ =	shalt  }
0x7a: {  	_ =	shalt  }
0x7b: {  	_ =	shalt  }
0x7c: {  	_ =	shalt  }
0x7d: {  	_ =	shalt  }
0x7e: {  	_ =	shalt  }
0x7f: {  	_ =	shalt  }
0x80: {  	_ =	shalt  }
0x81: {  	_ =	shalt  }
0x82: {  	_ =	shalt  }
0x83: {  	_ =	shalt  }
0x84: {  	_ =	shalt  }
0x85: {  	_ =	shalt  }
0x86: {  	_ =	shalt  }
0x87: {  	_ =	shalt  }
.Lfunc_end0:
.L_simem_size_0:
called_computation.1_lowered:
.L_overlay_start_0:
0x88: {  	s2 =	sld [smem:$0x3FD9]  }
0x89: {  	s3 =	sld [smem:$0x3FFE];
	_ =	sdelay $0x1  }
0x8a: {  	s1 =	srdreg.scid  }
0x8b: {  	s0 =	sand.u32 $0x1, s1  }
0x8c: {  	s14 =	sshll.u32 s0, $0xA;
	s2 =	sadd.s32 s3, s2  }
0x8d: {  	s2 =	sadd.s32 s2, s14  }
0x8e: {  	[smem:$0x3FC3] =	sst s2  }
0x8f: {  	_ = 	snop  }
0x90: {  	s2 =	sld [smem:$0x3FD0];
	_ =	sdelay $0x2  }
0x91: {  	s15 =	simm.s32 $0xB;
	s4 =	simm.s32 $0x10  }
0x92: {  	[smem:s4], [sflag:s15] =	dma.local [hbm:s2], $0x1  }
0x93: {  	_ =	swait.eq [sflag:s15], $0x1  }
0x94: {  	[sflag:s15] =	ssyncset.done $0x0  }
0x95: {  	[sflag:s15] =	ssyncadd.s32 $0xFFFFFFFF  }
0x96: {  	s16 =	sld [smem:$0x11];
	(tm) =	ssettm $0x1  }
0x97: {  	s17 =	sld [smem:$0x3FFB];
	_ =	sdelay $0x3  }
0x98: {  	_ =	strace s17  }
0x99: {  	s3 =	sld [smem:$0x3FFC];
	_ =	sdelay $0x3  }
0x9a: {  	_ =	strace s3  }
0x9b: {  	s3 =	sld [smem:$0x3FFD];
	_ =	sdelay $0x3  }
0x9c: {  	_ =	strace s3  }
0x9d: {  	_ =	strace $0x8FFFFFFF  }
0x9e: {  	s18 =	sld [smem:$0x3FDB];
	_ =	sdelay $0x1  }
0x9f: {  	s19 =	simm.s32 $_scs_section_size  }
0xa0: {  	s5 =	simm.s32 $_size__tile_overlayer_lowered;
	s6 =	simm.s32 $_tile_overlayer_lowered  }
0xa1: {  	s22 =	simm.s32 $0x1BFF;
	s21 =	sshll.u32 s6, $0x1;
	s3 =	sadd.s32 s19, s18  }
0xa2: {  	s7 =	simm.s32 $0x0;
	s20 =	sshll.u32 s5, $0x1;
	s5 =	sadd.s32 s21, s3  }
0xa3: {  	[timem:s7], [sflag:s22] =	dma.local [hbm:s5], s20  }
0xa4: {  	_ =	swait.ge [sflag:s22], s20  }
0xa5: {  	s4 =	ssub.s32 $0x0, s20;
	[sflag:s22] =	ssyncset.done $0x0  }
0xa6: {  	[sflag:s22] =	ssyncadd.s32 s4;
	_ =	sdelay $0x1  }
0xa7: {  	s23 =	simm.s32 $0x1B8B  }
0xa8: {  	_ =	swait.ge [sflag:s23], $0x1  }
0xa9: {  	[sflag:s23] =	ssyncset.done $0x0  }
0xaa: {  	s25 =	simm.s32 $0x1B8E;
	s24 =	sld [smem:$0x3FFE];
	[sflag:s23] =	ssyncadd.s32 $0xFFFFFFFF  }
0xab: {  	s26 =	simm.s32 $execute0_lowered;
	[smem:$0x3FD2] =	sst s25  }
0xac: {  	s5 =	sshll.u32 s26, $0x1;
	_ =	strace $0x80000046;
	[dreg:$0x1] =	wrdreg $0xFFFFFFFF  }
0xad: {  	s28 =	simm.s32 $_size_execute0_lowered;
	s3 =	sadd.s32 s3, s5;
	[dreg:$0x0] =	wrdreg $0x0  }
0xae: {  	s5 =	sshll.u32 s28, $0x1;
	[dreg:$0x2] =	wrdreg s3  }
0xaf: {  	[dreg:$0x3] =	wrdreg s5  }
0xb0: {  	[dreg:$0x4] =	wrdreg $0xC0  }
0xb1: {  	_ =	task [dreg:s7], $0x5FFFF  }
0xb2: {  	[dreg:$0x1] =	wrdreg $0xFFFFFFFF  }
0xb3: {  	[dreg:$0x0] =	wrdreg $0x60  }
0xb4: {  	[dreg:$0x2] =	wrdreg s24  }
0xb5: {  	[dreg:$0x3] =	wrdreg s16  }
0xb6: {  	[dreg:$0x4] =	wrdreg $0xA  }
0xb7: {  	_ =	task.clear_ibuf [dreg:s7], $0x5FFFF;
	_ =	strace $0x90000046  }
0xb8: {  	s29 =	simm.s32 $0xA;
	_ =	strace $0x80000048  }
0xb9: {  	_ =	swait.ge [sflag:s29], $0x1  }
0xba: {  	[sflag:s29] =	ssyncadd.s32 $0xFFFFFFFF  }
0xbb: {  	_ =	strace $0x90000048  }
0xbc: {  	_ =	sfence  }
0xbd: {  	s30 =	sld [smem:$0x0];
	_ =	sdelay $0x2  }
0xbe: {  	s31 =	sshll.u32 s1, $0xD;
	s1 =	sshrl.u32 s1, $0x2  }
0xbf: {  	s3 =	sand.u32 $0x4000, s31;
	s1 =	sadd.s32 s1, s30  }
0xc0: {  	s0 =	sor.u32 s3, s0;
	s1 =	sshll.u32 s1, $0x11  }
0xc1: {  	s0 =	sor.u32 s1, s0  }
0xc2: {  	s0 =	sadd.s32 $0x8F2B, s0  }
0xc3: {  	[sflag:s0] =	ssyncadd.remote.s32 $0x1  }
0xc4: {  	_ =	sfence.sel $0xFFFF  }
0xc5: {  	[dreg:$0x0] =	wrdreg $0xFFFFFFFF;
	(pc) =	sbr.abs _section_cstart, $3  }
0xc6: {  	[dreg:$0x1] =	wrdreg $0xFFFFFFFF  }
0xc7: {  	_ =	task.clear_ibuf [dreg:s7], $0x2FFFF;
	_ =	strace $0x9FFFFFFF  }
0xc8: {  	(tm) =	ssettm $0x7FFFFFFF  }
0xc9: {  	_ =	shalt  }
tec
execute0_lowered:
.L_overlay_start_1:
0x0: {  	(tag) =	ssettag $0x1  }
0x1: {  	s8 =	rddreg [dreg:$0x0]  }
0x2: {  	s1 =	rddreg [dreg:$0x1]  }
0x3: {  	s0 =	rddreg [dreg:$0x2];
	s2 =	simm.s32 $0x0;
	s3 =	stileid.u32  }
0x4: {  	s9 =	srdreg.scid;
	s13 =	simm.s32 $0x1;
	s14 =	simm.s32 $0x1F00  }
0x5: {  	s15 =	simm.s32 $0x3E00;
	s16 =	simm.s32 $0x5D00;
	s18 =	simm.s32 $0x9C40  }
0x6: {  	s19 =	simm.s32 $0x0;
	[smem:$0x7FF] =	sst s2;
	s4 =	sadd.s32 $0x1600, s8  }
0x7: {  	s5 =	sadd.s32 $0x9200, s8;
	s6 =	sadd.s32 $0x10E00, s8;
	s7 =	sadd.s32 $0x18A00, s8  }
0x8: {  	s10 =	sshll.u32 s3, $0xD;
	s17 =	sand.u32 $0x1, s9;
	s9 =	smul.u32 $0x3E00, s3  }
0x9: {  	_ =	strace $0x80000047;
	s30 =	sadd.s32 s10, s8;
	s31 =	ssub.s32 $0x2, s17  }
0xa: {  	s11 =	sshll.u32 s17, $0x11;
	s8 =	sadd.s32 $0x20600, s8;
	s12 =	sshrl.u32 s31, $0x1  }
0xb: {  	v0 =	vmov s17;
	s17 =	simm.s32 $0x7C00;
	s11 =	sadd.s32 s11, s30;
	s12 =	ssub.s32 s31, s12  }
0xc: {  	v1 =	vimm.f32 $0.0e+00;
	s10 =	sadd.s32 $0x28200, s11;
	s11 =	smax.u32 s12, $0x1;
	s12 =	simm.s32 $0x9B00  }
.LBB2_1:
0xd: {  	[tilespmem:s12], [sflag:$0x1] =	stream.linear.gather [hbm4b:s1+s2], $0x140, $0x38;
	[tilespmem:$0x19C40] =	vst v63  }
0xe: {  	_ =	swait.ge [sflag:s13], $0x140  }
0xf: {  	[sflag:s13] =	ssyncset.done $0x0  }
0x10: {  	s20 =	simm.s32 $0x9C80;
	[sflag:s13] =	ssyncadd.s32 $0xFFFFFEC0  }
0x11: {  	[tilespmem:s20+$0xFFFFFFC0] =	vst v1  }
0x12: {  	[tilespmem:s20+$0x30] =	vst v1  }
0x13: {  	[tilespmem:s20+$0x20] =	vst v1  }
0x14: {  	[tilespmem:s20+$0x10] =	vst v1  }
0x15: {  	[tilespmem:s20+$0x0] =	vst v1  }
0x16: {  	[tilespmem:s20+$0xFFFFFFF0] =	vst v1  }
0x17: {  	s21 =	simm.s32 $0x0;
	p0 =	por $0x1, $0x1;
	[tilespmem:s20+$0xFFFFFFE0] =	vst v1  }
.LBB2_2:
0x18: {  	s21 =	sadd.s32 $0x8, s21;
	[tilespmem:s20+$0xFFFFFFD0] =	vst v1;
	s20 =	sadd.s32 $0x80, s20  }
0x19: {  	[tilespmem:s20+$0xFFFFFFC0] =	vst v1;
	p1 =	slt.u32 s21, $0xFF8  }
0x1a: {  	[tilespmem:s20+$0x30] =	vst v1  }
.Ltmp0:
0x1b: {  	[tilespmem:s20+$0x20] =	vst v1;
	(pc) =	sbr.rel @p1 .LBB2_2-.Ltmp0, $4  }
0x1c: {  	[tilespmem:s20+$0x10] =	vst v1  }
0x1d: {  	[tilespmem:s20+$0x0] =	vst v1  }
0x1e: {  	[tilespmem:s20+$0xFFFFFFF0] =	vst v1  }
0x1f: {  	[tilespmem:s20+$0xFFFFFFE0] =	vst v1  }
0x20: {  	[tilespmem:s20+$0xFFFFFFD0] =	vst v1;
	s20 =	simm.s32 $0x0  }
.LBB2_4:
0x21: {  	s20 =	sadd.s32 s9, s20  }
0x22: {  	s20 =	sshrl.u32 s20, $0x3  }
0x23: {  	s21 =	sadd.s32 s4, s20  }
0x24: {  	[tilespmem:s2], [sflag:$0x1] =	stream.linear.gather [hbm4b:s21+s2], $0x1F00, $0x38;
	[tilespmem:$0x19C40] =	vst v63  }
0x25: {  	_ =	swait.ge [sflag:s13], $0x1F00  }
0x26: {  	[sflag:s13] =	ssyncset.done $0x0  }
0x27: {  	s23 =	sadd.s32 s5, s20;
	[sflag:s13] =	ssyncadd.s32 $0xFFFFE100  }
0x28: {  	[tilespmem:s14], [sflag:$0x1] =	stream.linear.gather [hbm4b:s23+s2], $0x1F00, $0x38;
	[tilespmem:$0x19C40] =	vst v63  }
0x29: {  	_ =	swait.ge [sflag:s13], $0x1F00  }
0x2a: {  	[sflag:s13] =	ssyncset.done $0x0  }
0x2b: {  	s24 =	sadd.s32 s6, s20;
	[sflag:s13] =	ssyncadd.s32 $0xFFFFE100  }
0x2c: {  	[tilespmem:s15], [sflag:$0x1] =	stream.linear.gather [hbm4b:s24+s2], $0x1F00, $0x38;
	[tilespmem:$0x19C40] =	vst v63  }
0x2d: {  	_ =	swait.ge [sflag:s13], $0x1F00  }
0x2e: {  	[sflag:s13] =	ssyncset.done $0x0  }
0x2f: {  	s25 =	sadd.s32 s7, s20;
	[sflag:s13] =	ssyncadd.s32 $0xFFFFE100  }
0x30: {  	[tilespmem:s16], [sflag:$0x1] =	stream.linear.gather [hbm4b:s25+s2], $0x1F00, $0x38;
	[tilespmem:$0x19C40] =	vst v63  }
0x31: {  	_ =	swait.ge [sflag:s13], $0x1F00  }
0x32: {  	[sflag:s13] =	ssyncset.done $0x0  }
0x33: {  	s20 =	sadd.s32 s8, s20;
	[sflag:s13] =	ssyncadd.s32 $0xFFFFE100  }
0x34: {  	[tilespmem:s17], [sflag:$0x1] =	stream.linear.gather [hbm4b:s20+s2], $0x1F00, $0x38;
	[tilespmem:$0x19C40] =	vst v63  }
0x35: {  	_ =	swait.ge [sflag:s13], $0x1F00  }
0x36: {  	[sflag:s13] =	ssyncset.done $0x0  }
0x37: {  	s26 =	simm.s32 $0x20;
	[sflag:s13] =	ssyncadd.s32 $0xFFFFE100  }
0x38: {  	v2 =	vld [tilespmem:s26+$0x10];
	_ =	sdelay $0x2  }
0x39: {  	v4 =	vld [tilespmem:s26+$0xFFFFFFE0]  }
0x3a: {  	v3 =	vld [tilespmem:s26+$0xFFFFFFF0]  }
0x3b: {  	v7 =	vld [tilespmem:s26+$0x0];
	v5 =	vshra.s32 v2, $0xE  }
0x3c: {  	v5 =	vand.u32 $0xFFFFFFF8, v5;
	_ =	sdelay $0x1  }
0x3d: {  	v8 =	vshra.s32 v4, $0xE;
	v9 =	vshrl.u32 v2, $0x10  }
0x3e: {  	s28 =	simm.s32 $0x1F20;
	v8 =	vand.u32 $0xFFFFFFF8, v8;
	v9 =	vand.u32 $0x1, v9  }
0x3f: {  	v10 =	vld [tilespmem:s28+$0x10];
	v6 =	vshra.s32 v3, $0xE;
	vm0 =	veq.s32 v9, v0;
	v9 =	vshra.s32 v7, $0xE  }
0x40: {  	v2 =	vand.u32 $0xFFFF, v2;
	v12 =	vshrl.u32 v3, $0x10;
	v9 =	vand.u32 $0xFFFFFFF8, v9;
	v5 =	vld.idx.msk [tilespmem:v5+s12+$0x0], $0xffff  }
0x41: {  	v13 =	vld [tilespmem:s28+$0xFFFFFFE0];
	v11 =	vshrl.u32 v4, $0x10;
	v6 =	vand.u32 $0xFFFFFFF8, v6;
	v12 =	vand.u32 $0x1, v12  }
0x42: {  	v14 =	vld [tilespmem:s28+$0xFFFFFFF0];
	vm1 =	veq.s32 v12, v0;
	v12 =	vand.u32 $0xFFFF, v4;
	v4 =	vshrl.u32 v7, $0x10  }
0x43: {  	v11 =	vand.u32 $0x1, v11;
	v4 =	vand.u32 $0x1, v4;
	v8 =	vld.idx.msk [tilespmem:v8+s12+$0x0], $0xffff  }
0x44: {  	vm3 =	veq.s32 v11, v0;
	vm2 =	veq.s32 v4, v0;
	v4 =	vld [tilespmem:s28+$0x0]  }
0x45: {  	v11 =	vld.idx.msk [tilespmem:v9+s12+$0x0], $0xffff;
	v10 =	vmul.f32 v10, v5  }
0x46: {  	vm2 =	vmmov vm2;
	v6 =	vld.idx.msk [tilespmem:v6+s12+$0x0], $0xffff  }
0x47: {  	s29 =	simm.s32 $0x3E20;
	v7 =	vand.u32 $0xFFFF, v7;
	[tilespmem:v2+s18+$0x0] =	vst.idx.add.f32.msk vm0, v10  }
0x48: {  	v9 =	vmul.f32 v13, v8;
	v10 =	vand.u32 $0xFFFF, v3;
	v3 =	vld [tilespmem:s29+$0x10];
	_ =	sdelay $0x1  }
0x49: {  	v13 =	vadd.s32 $0x1, v2;
	[tilespmem:v12+s18+$0x0] =	vst.idx.add.f32.msk vm3, v9;
	v4 =	vmul.f32 v4, v11  }
0x4a: {  	v14 =	vmul.f32 v14, v6;
	v9 =	vld [tilespmem:s29+$0xFFFFFFE0]  }
0x4b: {  	[tilespmem:v7+s18+$0x0] =	vst.idx.add.f32.msk vm2, v4  }
0x4c: {  	[tilespmem:v10+s18+$0x0] =	vst.idx.add.f32.msk vm1, v14;
	v3 =	vmul.f32 v3, v5  }
0x4d: {  	v4 =	vld [tilespmem:s29+$0xFFFFFFF0]  }
0x4e: {  	s30 =	simm.s32 $0x5D20;
	[tilespmem:v13+s18+$0x0] =	vst.idx.add.f32.msk vm0, v3;
	v3 =	vadd.s32 $0x1, v12  }
0x4f: {  	v16 =	vadd.s32 $0x1, v10;
	v13 =	vld [tilespmem:s30+$0x10]  }
0x50: {  	s20 =	simm.s32 $0x1F60  }
0x51: {  	v21 =	vld [tilespmem:s20+$0x10];
	v14 =	vadd.s32 $0x2, v2;
	v9 =	vmul.f32 v9, v8  }
0x52: {  	v15 =	vld [tilespmem:s29+$0x0];
	v4 =	vmul.f32 v4, v6  }
0x53: {  	[tilespmem:v3+s18+$0x0] =	vst.idx.add.f32.msk vm3, v9  }
0x54: {  	s31 =	simm.s32 $0x60;
	v17 =	vadd.s32 $0x1, v7;
	[tilespmem:v16+s18+$0x0] =	vst.idx.add.f32.msk vm1, v4;
	v3 =	vmul.f32 v13, v5  }
0x55: {  	v4 =	vld [tilespmem:s31+$0x10]  }
0x56: {  	s22 =	simm.s32 $0x7C20;
	[tilespmem:v14+s18+$0x0] =	vst.idx.add.f32.msk vm0, v3  }
0x57: {  	v3 =	vmul.f32 v15, v11;
	v13 =	vld [tilespmem:s22+$0x10]  }
0x58: {  	v9 =	vld [tilespmem:s30+$0xFFFFFFE0]  }
0x59: {  	v2 =	vadd.s32 $0x3, v2;
	[tilespmem:v17+s18+$0x0] =	vst.idx.add.f32.msk vm2, v3  }
0x5a: {  	vm3 =	vmmov vm3;
	v3 =	vld [tilespmem:s30+$0xFFFFFFF0]  }
0x5b: {  	v14 =	vadd.s32 $0x2, v12;
	v15 =	vld [tilespmem:s31+$0xFFFFFFF0]  }
0x5c: {  	v16 =	vadd.s32 $0x2, v10;
	v17 =	vld [tilespmem:s31+$0xFFFFFFE0];
	v5 =	vmul.f32 v13, v5  }
0x5d: {  	v13 =	vld [tilespmem:s31+$0x0]  }
0x5e: {  	v9 =	vmul.f32 v9, v8;
	[tilespmem:v2+s18+$0x0] =	vst.idx.add.f32.msk vm0, v5;
	v2 =	vshra.s32 v4, $0xE  }
0x5f: {  	v24 =	vld [tilespmem:s20+$0xFFFFFFE0];
	v3 =	vmul.f32 v3, v6;
	v2 =	vand.u32 $0xFFFFFFF8, v2  }
0x60: {  	[tilespmem:v14+s18+$0x0] =	vst.idx.add.f32.msk vm3, v9;
	v5 =	vshra.s32 v15, $0xE  }
0x61: {  	v9 =	vand.u32 $0xFFFFFFF8, v5;
	[tilespmem:v16+s18+$0x0] =	vst.idx.add.f32.msk vm1, v3;
	v3 =	vshra.s32 v17, $0xE  }
0x62: {  	v58 =	vld [tilespmem:s20+$0xFFFFFFF0];
	v20 =	vand.u32 $0xFFFFFFF8, v3;
	v5 =	vshra.s32 v13, $0xE  }
0x63: {  	v18 =	vld [tilespmem:s30+$0x0];
	v3 =	vshrl.u32 v4, $0x10;
	v14 =	vand.u32 $0xFFFFFFF8, v5  }
0x64: {  	v5 =	vld.idx.msk [tilespmem:v2+s12+$0x0], $0xffff;
	v2 =	vand.u32 $0x1, v3  }
0x65: {  	vm4 =	vmmov vm1;
	v23 =	vshrl.u32 v17, $0x10;
	v16 =	vld [tilespmem:s22+$0xFFFFFFE0];
	vm1 =	veq.s32 v2, v0  }
0x66: {  	v22 =	vand.u32 $0xFFFF, v4;
	v23 =	vand.u32 $0x1, v23;
	v3 =	vld.idx.msk [tilespmem:v9+s12+$0x0], $0xffff  }
0x67: {  	vm7 =	veq.s32 v23, v0;
	v4 =	vld.idx.msk [tilespmem:v20+s12+$0x0], $0xffff  }
0x68: {  	v57 =	vshrl.u32 v13, $0x10;
	v9 =	vadd.s32 $0x2, v7;
	v2 =	vld.idx.msk [tilespmem:v14+s12+$0x0], $0xffff;
	v14 =	vshrl.u32 v15, $0x10  }
0x69: {  	v19 =	vld [tilespmem:s22+$0xFFFFFFF0];
	v20 =	vand.u32 $0x1, v57;
	v14 =	vand.u32 $0x1, v14;
	v21 =	vmul.f32 v21, v5  }
0x6a: {  	v17 =	vand.u32 $0xFFFF, v17;
	vm0 =	veq.s32 v20, v0;
	vm6 =	veq.s32 v14, v0;
	v14 =	vld [tilespmem:s20+$0x0]  }
0x6b: {  	s21 =	simm.s32 $0x3E60;
	v18 =	vmul.f32 v18, v11;
	v15 =	vand.u32 $0xFFFF, v15;
	vm0 =	vmmov vm0;
	[tilespmem:v22+s18+$0x0] =	vst.idx.add.f32.msk vm1, v21  }
0x6c: {  	v59 =	vand.u32 $0xFFFF, v13;
	v13 =	vld [tilespmem:s21+$0x10]  }
0x6d: {  	[tilespmem:v9+s18+$0x0] =	vst.idx.add.f32.msk vm2, v18;
	v60 =	vmul.f32 v24, v4  }
0x6e: {  	v9 =	vmul.f32 v58, v3;
	v18 =	vadd.s32 $0x1, v22;
	v61 =	vld [tilespmem:s22+$0x0]  }
0x6f: {  	[tilespmem:v17+s18+$0x0] =	vst.idx.add.f32.msk vm7, v60;
	v14 =	vmul.f32 v14, v2  }
0x70: {  	v12 =	vadd.s32 $0x3, v12;
	[tilespmem:v15+s18+$0x0] =	vst.idx.add.f32.msk vm6, v9  }
0x71: {  	[tilespmem:v59+s18+$0x0] =	vst.idx.add.f32.msk vm0, v14;
	v9 =	vmul.f32 v13, v5  }
0x72: {  	v10 =	vadd.s32 $0x3, v10;
	v13 =	vld [tilespmem:s21+$0xFFFFFFE0]  }
0x73: {  	v8 =	vmul.f32 v16, v8;
	s22 =	simm.s32 $0x5D60;
	[tilespmem:v18+s18+$0x0] =	vst.idx.add.f32.msk vm1, v9  }
0x74: {  	v9 =	vadd.s32 $0x1, v17;
	v14 =	vld [tilespmem:s22+$0x10]  }
0x75: {  	v6 =	vmul.f32 v19, v6;
	[tilespmem:v12+s18+$0x0] =	vst.idx.add.f32.msk vm3, v8  }
0x76: {  	v19 =	vadd.s32 $0x2, v22;
	v16 =	vld [tilespmem:s21+$0xFFFFFFF0]  }
0x77: {  	[tilespmem:v10+s18+$0x0] =	vst.idx.add.f32.msk vm4, v6;
	v13 =	vmul.f32 v13, v4  }
0x78: {  	v62 =	vadd.s32 $0x1, v15;
	v18 =	vld [tilespmem:s21+$0x0]  }
0x79: {  	[tilespmem:v9+s18+$0x0] =	vst.idx.add.f32.msk vm7, v13;
	v8 =	vmul.f32 v14, v5  }
0x7a: {  	vm5 =	vmmov vm2;
	v63 =	vadd.s32 $0x1, v59;
	v25 =	vld [tilespmem:s22+$0xFFFFFFE0]  }
0x7b: {  	s23 =	simm.s32 $0x7C60;
	v6 =	vadd.s32 $0x3, v7;
	v7 =	vadd.s32 $0x3, v17;
	v16 =	vmul.f32 v16, v3;
	[tilespmem:v19+s18+$0x0] =	vst.idx.add.f32.msk vm1, v8  }
0x7c: {  	v10 =	vadd.s32 $0x3, v59;
	v12 =	vadd.s32 $0x2, v15;
	vm4 =	vmmov vm0;
	v14 =	vld [tilespmem:s23+$0x10]  }
0x7d: {  	vm2 =	vmmov vm7;
	vm3 =	vmmov vm6;
	[tilespmem:v62+s18+$0x0] =	vst.idx.add.f32.msk vm6, v16;
	v18 =	vmul.f32 v18, v2  }
0x7e: {  	v13 =	vadd.s32 $0x2, v17;
	v17 =	vld [tilespmem:s22+$0xFFFFFFF0];
	v8 =	vadd.s32 $0x3, v15;
	v15 =	vadd.s32 $0x3, v22  }
0x7f: {  	p1 =	por p0, p0;
	s24 =	simm.s32 $0x4;
	s25 =	simm.s32 $0xA0;
	v11 =	vmul.f32 v61, v11;
	v9 =	vadd.s32 $0x2, v59;
	[tilespmem:v63+s18+$0x0] =	vst.idx.add.f32.msk vm0, v18;
	v16 =	vmul.f32 v25, v4  }
.LBB2_5:
0x80: {  	v18 =	vld [tilespmem:s25+$0x10];
	s24 =	sadd.s32 $0x4, s24  }
0x81: {  	v19 =	vld [tilespmem:s25+$0xFFFFFFF0];
	p0 =	slt.u32 s24, $0x1EC;
	v5 =	vmul.f32 v14, v5  }
0x82: {  	v14 =	vld [tilespmem:s25+$0x0]  }
0x83: {  	[tilespmem:v15+s18+$0x0] =	vst.idx.add.f32.msk vm1, v5  }
0x84: {  	v5 =	vld [tilespmem:s25+$0xFFFFFFE0];
	v15 =	vmul.f32 v17, v3  }
0x85: {  	v17 =	vshra.s32 v18, $0xE;
	v20 =	vld [tilespmem:s22+$0x0]  }
0x86: {  	v21 =	vshrl.u32 v19, $0x10;
	v22 =	vshra.s32 v19, $0xE;
	v17 =	vand.u32 $0xFFFFFFF8, v17;
	[tilespmem:v13+s18+$0x0] =	vst.idx.add.f32.msk vm2, v16  }
0x87: {  	v13 =	vand.u32 $0xFFFFFFF8, v22;
	v16 =	vshrl.u32 v14, $0x10;
	v22 =	vshra.s32 v14, $0xE;
	[tilespmem:v12+s18+$0x0] =	vst.idx.add.f32.msk vm3, v15  }
0x88: {  	v12 =	vand.u32 $0x1, v21;
	v15 =	vand.u32 $0x1, v16;
	v16 =	vand.u32 $0xFFFFFFF8, v22;
	v21 =	vld [tilespmem:s23+$0xFFFFFFE0]  }
0x89: {  	vm6 =	veq.s32 v12, v0;
	v22 =	vshrl.u32 v5, $0x10;
	v23 =	vshra.s32 v5, $0xE;
	v24 =	vld [tilespmem:s23+$0xFFFFFFF0]  }
0x8a: {  	vm8 =	veq.s32 v15, v0;
	v12 =	vand.u32 $0x1, v22;
	v22 =	vand.u32 $0xFFFFFFF8, v23;
	[tilespmem:v6+s18+$0x0] =	vst.idx.add.f32.msk vm5, v11;
	v6 =	vmovc v10  }
0x8b: {  	s20 =	sadd.s32 $0x40, s20;
	v11 =	vand.u32 $0xFFFF, v5;
	v10 =	vshrl.u32 v18, $0x10;
	vm7 =	veq.s32 v12, v0;
	v5 =	vld.idx.msk [tilespmem:v17+s12+$0x0], $0xffff  }
0x8c: {  	v14 =	vand.u32 $0xFFFF, v14;
	v15 =	vand.u32 $0xFFFF, v19;
	v10 =	vand.u32 $0x1, v10;
	v17 =	vld [tilespmem:s20+$0x10]  }
0x8d: {  	v25 =	vadd.s32 $0x1, v15;
	v19 =	vadd.s32 $0x1, v11;
	vm1 =	veq.s32 v10, v0;
	v23 =	vld.idx.msk [tilespmem:v13+s12+$0x0], $0xffff  }
0x8e: {  	v26 =	vadd.s32 $0x1, v14;
	v18 =	vand.u32 $0xFFFF, v18;
	v20 =	vmul.f32 v20, v2;
	v16 =	vld.idx.msk [tilespmem:v16+s12+$0x0], $0xffff  }
0x8f: {  	v27 =	vadd.s32 $0x2, v14;
	v12 =	vadd.s32 $0x2, v15;
	v13 =	vadd.s32 $0x2, v11;
	v22 =	vld.idx.msk [tilespmem:v22+s12+$0x0], $0xffff  }
0x90: {  	v29 =	vadd.s32 $0x3, v11;
	v21 =	vmul.f32 v21, v4;
	v24 =	vmul.f32 v24, v3;
	v28 =	vld [tilespmem:s20+$0xFFFFFFE0]  }
0x91: {  	v31 =	vadd.s32 $0x3, v15;
	v10 =	vadd.s32 $0x3, v14;
	v30 =	vld [tilespmem:s20+$0xFFFFFFF0];
	v4 =	vmul.f32 v17, v5  }
0x92: {  	vm5 =	vmmov vm0;
	vm0 =	vmmov vm8;
	v17 =	vld [tilespmem:s20+$0x0]  }
0x93: {  	s21 =	sadd.s32 $0x40, s21;
	v3 =	vmov v23;
	[tilespmem:v18+s18+$0x0] =	vst.idx.add.f32.msk vm1, v4  }
0x94: {  	v23 =	vld [tilespmem:s21+$0x10]  }
0x95: {  	v28 =	vmul.f32 v28, v22;
	[tilespmem:v9+s18+$0x0] =	vst.idx.add.f32.msk vm4, v20;
	v4 =	vmovc v22;
	v9 =	vmov v27;
	vm4 =	vmmov vm8  }
0x96: {  	v22 =	vadd.s32 $0x1, v18;
	v20 =	vmul.f32 v30, v3;
	v27 =	vld [tilespmem:s23+$0x0]  }
0x97: {  	[tilespmem:v11+s18+$0x0] =	vst.idx.add.f32.msk vm7, v28;
	v11 =	vmul.f32 v17, v16  }
0x98: {  	[tilespmem:v15+s18+$0x0] =	vst.idx.add.f32.msk vm6, v20  }
0x99: {  	[tilespmem:v14+s18+$0x0] =	vst.idx.add.f32.msk vm8, v11;
	v11 =	vmul.f32 v23, v5  }
0x9a: {  	v14 =	vld [tilespmem:s21+$0xFFFFFFE0]  }
0x9b: {  	s22 =	sadd.s32 $0x40, s22;
	[tilespmem:v22+s18+$0x0] =	vst.idx.add.f32.msk vm1, v11;
	v11 =	vmul.f32 v27, v2;
	v2 =	vmov v16  }
0x9c: {  	v15 =	vld [tilespmem:s22+$0x10]  }
0x9d: {  	v16 =	vld [tilespmem:s21+$0xFFFFFFF0]  }
0x9e: {  	v20 =	vadd.s32 $0x2, v18;
	v17 =	vld [tilespmem:s21+$0x0]  }
0x9f: {  	v14 =	vmul.f32 v14, v4;
	[tilespmem:v7+s18+$0x0] =	vst.idx.add.f32.msk vm2, v21;
	v7 =	vmov v29;
	vm2 =	vmmov vm7  }
0xa0: {  	[tilespmem:v8+s18+$0x0] =	vst.idx.add.f32.msk vm3, v24;
	v8 =	vmov v31;
	vm3 =	vmmov vm6  }
0xa1: {  	[tilespmem:v19+s18+$0x0] =	vst.idx.add.f32.msk vm7, v14;
	v14 =	vmul.f32 v15, v5  }
0xa2: {  	v19 =	vld [tilespmem:s22+$0xFFFFFFE0];
	v15 =	vmul.f32 v16, v3  }
.Ltmp1:
0xa3: {  	s23 =	sadd.s32 $0x40, s23;
	v16 =	vmul.f32 v17, v2;
	[tilespmem:v20+s18+$0x0] =	vst.idx.add.f32.msk vm1, v14;
	(pc) =	sbr.rel @p0 .LBB2_5-.Ltmp1, $4  }
0xa4: {  	v14 =	vld [tilespmem:s23+$0x10]  }
0xa5: {  	[tilespmem:v25+s18+$0x0] =	vst.idx.add.f32.msk vm6, v15  }
0xa6: {  	v15 =	vadd.s32 $0x3, v18;
	[tilespmem:v26+s18+$0x0] =	vst.idx.add.f32.msk vm0, v16  }
0xa7: {  	s25 =	sadd.s32 $0x40, s25;
	v16 =	vmul.f32 v19, v4;
	v17 =	vld [tilespmem:s22+$0xFFFFFFF0]  }
0xa8: {  	_ =	sdelay $0x1  }
0xa9: {  	v18 =	vld [tilespmem:s22+$0x0];
	_ =	sdelay $0x2  }
0xaa: {  	[tilespmem:v13+s18+$0x0] =	vst.idx.add.f32.msk vm2, v16;
	v17 =	vmul.f32 v17, v3  }
0xab: {  	v61 =	vld [tilespmem:s23+$0xFFFFFFE0]  }
0xac: {  	v62 =	vmul.f32 v18, v2;
	[tilespmem:v12+s18+$0x0] =	vst.idx.add.f32.msk vm3, v17  }
0xad: {  	v63 =	vld [tilespmem:s23+$0xFFFFFFF0]  }
0xae: {  	[tilespmem:v9+s18+$0x0] =	vst.idx.add.f32.msk vm4, v62  }
0xaf: {  	v9 =	vld [tilespmem:s23+$0x0]  }
0xb0: {  	vm0 =	vmmov vm0  }
0xb1: {  	v5 =	vmul.f32 v14, v5  }
.Ltmp2:
0xb2: {  	[tilespmem:v6+s18+$0x0] =	vst.idx.add.f32.msk vm5, v11;
	v4 =	vmul.f32 v61, v4;
	(pc) =	sbr.rel @p1 .LBB2_4-.Ltmp2, $4  }
0xb3: {  	[tilespmem:v15+s18+$0x0] =	vst.idx.add.f32.msk vm1, v5;
	v3 =	vmul.f32 v63, v3  }
0xb4: {  	[tilespmem:v7+s18+$0x0] =	vst.idx.add.f32.msk vm2, v4;
	v2 =	vmul.f32 v9, v2  }
0xb5: {  	[tilespmem:v8+s18+$0x0] =	vst.idx.add.f32.msk vm3, v3  }
0xb6: {  	s20 =	simm.s32 $0x1F00;
	p0 =	por $0x0, $0x0;
	[tilespmem:v10+s18+$0x0] =	vst.idx.add.f32.msk vm0, v2  }
0xb7: {  	s19 =	sadd.s32 $0x1, s19  }
0xb8: {  	p0 =	sne.s32 s19, s11  }
.Ltmp3:
0xb9: {  	_ = 	snop;
	(pc) =	sbr.rel @p0 .LBB2_1-.Ltmp3, $4  }
0xba: {  	[hbm4b:s10+s2] =	stream.linear.scatter [tilespmem:s18], [sflag:$0x1], $0x10000, $0x38;
	[tilespmem:$0x19C40] =	vst v63  }
0xbb: {  	_ =	swait.ge [sflag:s13], $0x10000  }
0xbc: {  	[sflag:s13] =	ssyncset.done $0x0  }
0xbd: {  	[sflag:s13] =	ssyncadd.s32 $0xFFFF0000  }
0xbe: {  	_ =	sfence.sel $0x180000  }
0xbf: {  	[bflag:$0x0] =	sbarrier.arrive $0xFFFF  }
0xc0: {  	p0 =	sne.s32 s3, $0x0;
	_ =	strace $0x90000047  }
0xc1: {  	s0 =	sadd.s32 @!p0 $0x100000, s0;
	[bflag:$0x2] =	sbarrier.arrive $0xFFFF  }
0xc2: {  	[sflag:s0] =	ssyncadd.tile.s32 @!p0 $0x1;
	_ =	shalt  }
.Lfunc_end2:
_tile_overlayer_lowered:
.L_overlay_start_2:
0xc3: {  	(tag) =	ssettag $0x2  }
0xc4: {  	s0 =	rddreg [dreg:$0x0];
	s2 =	stileid.u32  }
0xc5: {  	s1 =	rddreg [dreg:$0x1];
	p0 =	sne.s32 s2, $0x0  }
0xc6: {  	s3 =	rddreg [dreg:$0x2];
	[bflag:$0x3] =	sbarrier.arrive $0xFFFF;
	s2 =	simm.s32 @!p0 $0x1C01  }
0xc7: {  	[timem:s3], [sflag:s2] =	dma.local @!p0 [hbm:s0], s1  }
0xc8: {  	s0 =	simm.s32 @!p0 $0x1  }
0xc9: {  	_ =	swait.ge @!p0 [sflag:s0], s1  }
0xca: {  	s1 =	ssub.s32 @!p0 $0x0, s1;
	[sflag:s0] =	ssyncset.done @!p0 $0x0  }
0xcb: {  	[sflag:s0] =	ssyncadd.s32 @!p0 s1  }
0xcc: {  	[bflag:$0x3] =	sbarrier.arrive $0xFFFF  }
0xcd: {  	_ =	shalt  }

// kernel: kernel.7.cloned.1.call-start
scs
__scs_entry_jumppad:
0x0: {  	(pc) =	sbr.rel $0x88, $3  }
0x1: {  	(tag) =	ssettag $0x0;
	lr =	simm.s32 $0x1  }
0x2: {  	[smem:$0x3F9C] =	sst lr;
	_ =	strace $0xD0000000  }
0x3: {  	_ = 	snop  }
0x4: {  	_ = 	snop  }
0x5: {  	_ = 	snop  }
0x6: {  	_ = 	snop  }
0x7: {  	_ = 	snop  }
__scs_overlays_trampoline_lowered:
0x8: {  	[smem:$0x3FAB] =	sst s0  }
0x9: {  	[smem:$0x3FAC] =	sst s1  }
0xa: {  	[smem:$0x3FAD] =	sst s2  }
0xb: {  	[smem:$0x3FAE] =	sst s3  }
0xc: {  	[smem:$0x3FAF] =	sst s4  }
0xd: {  	[smem:$0x3FB0] =	sst s5  }
0xe: {  	[smem:$0x3FB1] =	sst s6  }
0xf: {  	[smem:$0x3FB2] =	sst s7  }
0x10: {  	[smem:$0x3FB3] =	sst s8  }
0x11: {  	[smem:$0x3FB4] =	sst s9;
	s0 =	simm.s32 @!p0 $0x0  }
0x12: {  	s1 =	sld [smem:$0x3F9A];
	s0 =	simm.s32 @p0 $0x1  }
0x13: {  	[smem:$0x3FB5] =	sst s0;
	s0 =	simm.s32 @!p1 $0x0  }
0x14: {  	s2 =	sld [smem:$0x3F99];
	s0 =	simm.s32 @p1 $0x1  }
0x15: {  	[smem:$0x3FB6] =	sst s0;
	s0 =	simm.s32 @!p2 $0x0  }
0x16: {  	s3 =	sld [smem:$0x3FDB];
	s0 =	simm.s32 @p2 $0x1  }
0x17: {  	s4 =	simm.s32 $0x1BF5;
	[smem:$0x3FB8] =	sst s0  }
0x18: {  	s0 =	sld [smem:$0x3F9B];
	_ =	swait.ge [sflag:s4], $0x0  }
0x19: {  	s7 =	sld [smem:$0x3F9C]  }
0x1a: {  	s8 =	sadd.s32 $0xFFFFE003, lr  }
0x1b: {  	s9 =	sadd.s32 $0xFFFFFEF7, lr;
	s5 =	simm.s32 $0xFFFFFFFF;
	p2 =	slt.u32 s8, $0xFFFFF086  }
0x1c: {  	p1 =	slt.u32 s9, $0xF7A;
	s5 =	simm.s32 @!p2 $0x0  }
0x1d: {  	s5 =	simm.s32 @p1 $0x1;
	p0 =	seq.s32 s7, s2  }
0x1e: {  	s7 =	smul.u32 @!p0 $0xF7A, s2;
	p2 =	seq.s32 @!p0 s5, $0x0  }
0x1f: {  	s9 =	smul.u32 $0xF7A, s1;
	s8 =	simm.s32 @!p0 $0x1BF5;
	p2 =	por !p2, p0  }
0x20: {  	[sflag:s8] =	ssyncset.s32 @!p0 $0xFFFFF086;
	s6 =	sadd.s32 @!p0 s3, s7;
	s7 =	simm.s32 @!p0 $0x108  }
0x21: {  	s3 =	sadd.s32 s3, s9;
	s6 =	sadd.s32 @!p0 $0x88, s6;
	s7 =	simm.s32 @p2 $0x1082  }
0x22: {  	[simem:s7], [sflag:s8] =	dma.local @!p0 [hbm:s6], $0xF7A  }
0x23: {  	s9 =	sor.u32 $0xD0000000, s2;
	s6 =	simm.s32 $0x108;
	_ =	swait.ge @!p0 [sflag:s8], $0x0  }
0x24: {  	s3 =	sadd.s32 $0x88, s3;
	s6 =	simm.s32 @!p1 $0x1082;
	[sflag:s4] =	ssyncset.s32 $0xFFFFF086  }
0x25: {  	[simem:s6], [sflag:s4] =	dma.local [hbm:s3], $0xF7A  }
0x26: {  	[smem:$0x3F9C] =	sst s1;
	(tag) =	ssettag s2;
	_ =	strace s9  }
0x27: {  	s1 =	sld [smem:$0x3FAC]  }
0x28: {  	s2 =	sld [smem:$0x3FAD]  }
0x29: {  	s4 =	sld [smem:$0x3FAF]  }
0x2a: {  	p0 =	seq.s32 s5, $0x0;
	s5 =	sld [smem:$0x3FB0]  }
0x2b: {  	s6 =	sld [smem:$0x3FB1]  }
0x2c: {  	s7 =	sld [smem:$0x3FB2]  }
0x2d: {  	s3 =	simm.s32 $0x108;
	s8 =	sld [smem:$0x3FB3]  }
0x2e: {  	s3 =	simm.s32 @!p0 $0x1082;
	s9 =	sld [smem:$0x3FB4]  }
0x2f: {  	lr =	sadd.s32 s0, s3;
	s0 =	sld [smem:$0x3FAB]  }
0x30: {  	s3 =	sld [smem:$0x3FAE]  }
0x31: {  	[smem:$0x3FB7] =	sst s10  }
0x32: {  	s10 =	sld [smem:$0x3FB5];
	_ =	sdelay $0x3  }
0x33: {  	p0 =	seq.s32 s10, $0x1;
	s10 =	sld [smem:$0x3FB7];
	_ =	sdelay $0x3  }
0x34: {  	[smem:$0x3FB7] =	sst s10  }
0x35: {  	s10 =	sld [smem:$0x3FB6];
	_ =	sdelay $0x3  }
0x36: {  	p1 =	seq.s32 s10, $0x1;
	s10 =	sld [smem:$0x3FB7];
	_ =	sdelay $0x3  }
0x37: {  	[smem:$0x3FB7] =	sst s10  }
0x38: {  	s10 =	sld [smem:$0x3FB8]  }
0x39: {  	_ = 	snop;
	(pc) =	sbr.ind lr, $3  }
0x3a: {  	_ = 	snop  }
0x3b: {  	_ = 	snop  }
0x3c: {  	p2 =	seq.s32 s10, $0x1;
	s10 =	sld [smem:$0x3FB7]  }
0x3d: {  	_ =	shalt  }
0x3e: {  	_ =	shalt  }
0x3f: {  	_ =	shalt  }
0x40: {  	_ =	shalt  }
0x41: {  	_ =	shalt  }
0x42: {  	_ =	shalt  }
0x43: {  	_ =	shalt  }
0x44: {  	_ =	shalt  }
0x45: {  	_ =	shalt  }
0x46: {  	_ =	shalt  }
0x47: {  	_ =	shalt  }
0x48: {  	_ =	shalt  }
0x49: {  	_ =	shalt  }
0x4a: {  	_ =	shalt  }
0x4b: {  	_ =	shalt  }
0x4c: {  	_ =	shalt  }
0x4d: {  	_ =	shalt  }
0x4e: {  	_ =	shalt  }
0x4f: {  	_ =	shalt  }
0x50: {  	_ =	shalt  }
0x51: {  	_ =	shalt  }
0x52: {  	_ =	shalt  }
0x53: {  	_ =	shalt  }
0x54: {  	_ =	shalt  }
0x55: {  	_ =	shalt  }
0x56: {  	_ =	shalt  }
0x57: {  	_ =	shalt  }
0x58: {  	_ =	shalt  }
0x59: {  	_ =	shalt  }
0x5a: {  	_ =	shalt  }
0x5b: {  	_ =	shalt  }
0x5c: {  	_ =	shalt  }
0x5d: {  	_ =	shalt  }
0x5e: {  	_ =	shalt  }
0x5f: {  	_ =	shalt  }
0x60: {  	_ =	shalt  }
0x61: {  	_ =	shalt  }
0x62: {  	_ =	shalt  }
0x63: {  	_ =	shalt  }
0x64: {  	_ =	shalt  }
0x65: {  	_ =	shalt  }
0x66: {  	_ =	shalt  }
0x67: {  	_ =	shalt  }
0x68: {  	_ =	shalt  }
0x69: {  	_ =	shalt  }
0x6a: {  	_ =	shalt  }
0x6b: {  	_ =	shalt  }
0x6c: {  	_ =	shalt  }
0x6d: {  	_ =	shalt  }
0x6e: {  	_ =	shalt  }
0x6f: {  	_ =	shalt  }
0x70: {  	_ =	shalt  }
0x71: {  	_ =	shalt  }
0x72: {  	_ =	shalt  }
0x73: {  	_ =	shalt  }
0x74: {  	_ =	shalt  }
0x75: {  	_ =	shalt  }
0x76: {  	_ =	shalt  }
0x77: {  	_ =	shalt  }
0x78: {  	_ =	shalt  }
0x79: {  	_ =	shalt  }
0x7a: {  	_ =	shalt  }
0x7b: {  	_ =	shalt  }
0x7c: {  	_ =	shalt  }
0x7d: {  	_ =	shalt  }
0x7e: {  	_ =	shalt  }
0x7f: {  	_ =	shalt  }
0x80: {  	_ =	shalt  }
0x81: {  	_ =	shalt  }
0x82: {  	_ =	shalt  }
0x83: {  	_ =	shalt  }
0x84: {  	_ =	shalt  }
0x85: {  	_ =	shalt  }
0x86: {  	_ =	shalt  }
0x87: {  	_ =	shalt  }
.Lfunc_end0:
.L_simem_size_0:
called_computation_lowered:
.L_overlay_start_0:
0x88: {  	s2 =	sld [smem:$0x3FD9]  }
0x89: {  	s3 =	sld [smem:$0x3FFE];
	_ =	sdelay $0x1  }
0x8a: {  	s1 =	srdreg.scid  }
0x8b: {  	s0 =	sand.u32 $0x1, s1  }
0x8c: {  	s15 =	sshll.u32 s0, $0xA;
	s2 =	sadd.s32 s3, s2  }
0x8d: {  	s2 =	sadd.s32 s2, s15  }
0x8e: {  	[smem:$0x3FC3] =	sst s2  }
0x8f: {  	_ = 	snop  }
0x90: {  	s2 =	sld [smem:$0x3FD0];
	_ =	sdelay $0x2  }
0x91: {  	s16 =	simm.s32 $0xB;
	s4 =	simm.s32 $0x10  }
0x92: {  	[smem:s4], [sflag:s16] =	dma.local [hbm:s2], $0x1  }
0x93: {  	_ =	swait.eq [sflag:s16], $0x1  }
0x94: {  	[sflag:s16] =	ssyncset.done $0x0  }
0x95: {  	[sflag:s16] =	ssyncadd.s32 $0xFFFFFFFF  }
0x96: {  	s17 =	sld [smem:$0x11];
	(tm) =	ssettm $0x1  }
0x97: {  	s18 =	sld [smem:$0x3FFB];
	_ =	sdelay $0x3  }
0x98: {  	_ =	strace s18  }
0x99: {  	s2 =	sld [smem:$0x3FFC];
	_ =	sdelay $0x3  }
0x9a: {  	_ =	strace s2  }
0x9b: {  	s2 =	sld [smem:$0x3FFD];
	_ =	sdelay $0x3  }
0x9c: {  	_ =	strace s2  }
0x9d: {  	_ =	strace $0x8FFFFFFF  }
0x9e: {  	s19 =	sld [smem:$0x3FDB];
	_ =	sdelay $0x1  }
0x9f: {  	s20 =	simm.s32 $_scs_section_size  }
0xa0: {  	s5 =	simm.s32 $_size__tile_overlayer_lowered;
	s6 =	simm.s32 $_tile_overlayer_lowered  }
0xa1: {  	s7 =	simm.s32 $0x1BFF;
	s21 =	sshll.u32 s6, $0x1;
	s4 =	sadd.s32 s20, s19  }
0xa2: {  	s22 =	simm.s32 $0x0;
	s5 =	sshll.u32 s5, $0x1;
	s6 =	sadd.s32 s21, s4  }
0xa3: {  	[timem:s22], [sflag:s7] =	dma.local [hbm:s6], s5  }
0xa4: {  	_ =	swait.ge [sflag:s7], s5  }
0xa5: {  	s5 =	ssub.s32 $0x0, s5;
	[sflag:s7] =	ssyncset.done $0x0  }
0xa6: {  	[sflag:s7] =	ssyncadd.s32 s5;
	_ =	sdelay $0x1  }
0xa7: {  	s23 =	simm.s32 $0x1B8B  }
0xa8: {  	_ =	swait.ge [sflag:s23], $0x1  }
0xa9: {  	[sflag:s23] =	ssyncset.done $0x0  }
0xaa: {  	[sflag:s23] =	ssyncadd.s32 $0xFFFFFFFF  }
0xab: {  	s5 =	sld [smem:$0x0]  }
0xac: {  	s6 =	sand.u32 $0xFFFFFFFE, s1  }
0xad: {  	p0 =	sne.s32 s1, s6  }
0xae: {  	s6 =	sshll.u32 @p0 s6, $0xE  }
0xaf: {  	s6 =	sadd.s32 @p0 $0x11B8D, s6;
	s7 =	sshll.u32 @p0 s5, $0x11  }
0xb0: {  	s6 =	sor.u32 @p0 s7, s6  }
0xb1: {  	[sflag:s6] =	ssyncadd.remote.s32 @p0 $0x1;
	_ =	sdelay $0x1  }
0xb2: {  	s6 =	simm.s32 @p0 $0x1B8D  }
0xb3: {  	_ =	swait.eq @p0 [sflag:s6], $0x1  }
0xb4: {  	[sflag:s6] =	ssyncadd.s32 @p0 $0xFFFFFFFF  }
0xb5: {  	s7 =	sshll.u32 @!p0 s1, $0xE  }
0xb6: {  	s7 =	sor.u32 @!p0 $0x4000, s7;
	s6 =	simm.s32 @!p0 $0x1B8D  }
0xb7: {  	s5 =	sshll.u32 @!p0 s5, $0x11;
	s7 =	sadd.s32 @!p0 $0x11B8D, s7;
	_ =	swait.eq @!p0 [sflag:s6], $0x1  }
0xb8: {  	s5 =	sor.u32 @!p0 s5, s7;
	[sflag:s6] =	ssyncadd.s32 @!p0 $0xFFFFFFFF  }
0xb9: {  	s25 =	simm.s32 $0x1B8E;
	s24 =	sld [smem:$0x3FFE];
	[sflag:s5] =	ssyncadd.remote.s32 @!p0 $0x1  }
0xba: {  	s26 =	simm.s32 $execute0_lowered;
	[smem:$0x3FD2] =	sst s25  }
0xbb: {  	s6 =	sshll.u32 s26, $0x1;
	_ =	strace $0x80000049;
	[dreg:$0x1] =	wrdreg $0xFFFFFFFF  }
0xbc: {  	s28 =	simm.s32 $_size_execute0_lowered;
	s4 =	sadd.s32 s4, s6;
	[dreg:$0x0] =	wrdreg $0x0  }
0xbd: {  	s6 =	sshll.u32 s28, $0x1;
	[dreg:$0x2] =	wrdreg s4  }
0xbe: {  	[dreg:$0x3] =	wrdreg s6  }
0xbf: {  	[dreg:$0x4] =	wrdreg $0xC0  }
0xc0: {  	_ =	task [dreg:s22], $0x5FFFF  }
0xc1: {  	[dreg:$0x1] =	wrdreg $0xFFFFFFFF  }
0xc2: {  	[dreg:$0x0] =	wrdreg $0x60  }
0xc3: {  	[dreg:$0x2] =	wrdreg s24  }
0xc4: {  	[dreg:$0x3] =	wrdreg s17  }
0xc5: {  	[dreg:$0x4] =	wrdreg $0x9  }
0xc6: {  	_ =	task.clear_ibuf [dreg:s22], $0x5FFFF;
	_ =	strace $0x90000049  }
0xc7: {  	s29 =	simm.s32 $0x9;
	_ =	strace $0x8000004B  }
0xc8: {  	_ =	swait.ge [sflag:s29], $0x1  }
0xc9: {  	[sflag:s29] =	ssyncadd.s32 $0xFFFFFFFF  }
0xca: {  	_ =	strace $0x9000004B  }
0xcb: {  	_ =	sfence  }
0xcc: {  	s30 =	sld [smem:$0x0];
	_ =	sdelay $0x2  }
0xcd: {  	s31 =	sshll.u32 s1, $0xD;
	s1 =	sshrl.u32 s1, $0x2  }
0xce: {  	s4 =	sand.u32 $0x4000, s31;
	s1 =	sadd.s32 s1, s30  }
0xcf: {  	s0 =	sor.u32 s4, s0;
	s1 =	sshll.u32 s1, $0x11  }
0xd0: {  	s0 =	sor.u32 s1, s0  }
0xd1: {  	s0 =	sadd.s32 $0x8F2B, s0  }
0xd2: {  	[sflag:s0] =	ssyncadd.remote.s32 $0x1  }
0xd3: {  	_ =	sfence.sel $0xFFFF  }
0xd4: {  	[dreg:$0x0] =	wrdreg $0xFFFFFFFF;
	(pc) =	sbr.abs _section_cstart, $3  }
0xd5: {  	[dreg:$0x1] =	wrdreg $0xFFFFFFFF  }
0xd6: {  	_ =	task.clear_ibuf [dreg:s22], $0x2FFFF;
	_ =	strace $0x9FFFFFFF  }
0xd7: {  	(tm) =	ssettm $0x7FFFFFFF  }
tec
execute0_lowered:
.L_overlay_start_1:
0x0: {  	(tag) =	ssettag $0x1  }
0x1: {  	s8 =	rddreg [dreg:$0x0]  }
0x2: {  	s1 =	rddreg [dreg:$0x1]  }
0x3: {  	s0 =	rddreg [dreg:$0x2];
	s2 =	simm.s32 $0x0;
	s3 =	stileid.u32  }
0x4: {  	s9 =	srdreg.scid;
	s13 =	simm.s32 $0x1;
	s14 =	simm.s32 $0x1F00  }
0x5: {  	s15 =	simm.s32 $0x3E00;
	s16 =	simm.s32 $0x5D00;
	s18 =	simm.s32 $0x9C40  }
0x6: {  	s19 =	simm.s32 $0x0;
	[smem:$0x7FF] =	sst s2;
	s4 =	sadd.s32 $0x68200, s8  }
0x7: {  	s5 =	sadd.s32 $0x6FE00, s8;
	s6 =	sadd.s32 $0x77A00, s8;
	s7 =	sadd.s32 $0x7F600, s8  }
0x8: {  	s10 =	sshll.u32 s3, $0xD;
	s17 =	sand.u32 $0x1, s9;
	s9 =	smul.u32 $0x3E00, s3  }
0x9: {  	_ =	strace $0x8000004A;
	s30 =	sadd.s32 s10, s8;
	s31 =	ssub.s32 $0x2, s17  }
0xa: {  	s11 =	sshll.u32 s17, $0x11;
	s8 =	sadd.s32 $0x87200, s8;
	s12 =	sshrl.u32 s31, $0x1  }
0xb: {  	v0 =	vmov s17;
	s17 =	simm.s32 $0x7C00;
	s11 =	sadd.s32 s11, s30;
	s12 =	ssub.s32 s31, s12  }
0xc: {  	v1 =	vimm.f32 $0.0e+00;
	s10 =	sadd.s32 $0x8EE00, s11;
	s11 =	smax.u32 s12, $0x1;
	s12 =	simm.s32 $0x9B00  }
.LBB2_1:
0xd: {  	[tilespmem:s12], [sflag:$0x1] =	stream.linear.gather [hbm4b:s1+s2], $0x140, $0x38;
	[tilespmem:$0x19C40] =	vst v63  }
0xe: {  	_ =	swait.ge [sflag:s13], $0x140  }
0xf: {  	[sflag:s13] =	ssyncset.done $0x0  }
0x10: {  	s20 =	simm.s32 $0x9C80;
	[sflag:s13] =	ssyncadd.s32 $0xFFFFFEC0  }
0x11: {  	[tilespmem:s20+$0xFFFFFFC0] =	vst v1  }
0x12: {  	[tilespmem:s20+$0x30] =	vst v1  }
0x13: {  	[tilespmem:s20+$0x20] =	vst v1  }
0x14: {  	[tilespmem:s20+$0x10] =	vst v1  }
0x15: {  	[tilespmem:s20+$0x0] =	vst v1  }
0x16: {  	[tilespmem:s20+$0xFFFFFFF0] =	vst v1  }
0x17: {  	s21 =	simm.s32 $0x0;
	p0 =	por $0x1, $0x1;
	[tilespmem:s20+$0xFFFFFFE0] =	vst v1  }
.LBB2_2:
0x18: {  	s21 =	sadd.s32 $0x8, s21;
	[tilespmem:s20+$0xFFFFFFD0] =	vst v1;
	s20 =	sadd.s32 $0x80, s20  }
0x19: {  	[tilespmem:s20+$0xFFFFFFC0] =	vst v1;
	p1 =	slt.u32 s21, $0xFF8  }
0x1a: {  	[tilespmem:s20+$0x30] =	vst v1  }
.Ltmp0:
0x1b: {  	[tilespmem:s20+$0x20] =	vst v1;
	(pc) =	sbr.rel @p1 .LBB2_2-.Ltmp0, $4  }
0x1c: {  	[tilespmem:s20+$0x10] =	vst v1  }
0x1d: {  	[tilespmem:s20+$0x0] =	vst v1  }
0x1e: {  	[tilespmem:s20+$0xFFFFFFF0] =	vst v1  }
0x1f: {  	[tilespmem:s20+$0xFFFFFFE0] =	vst v1  }
0x20: {  	[tilespmem:s20+$0xFFFFFFD0] =	vst v1;
	s20 =	simm.s32 $0x0  }
.LBB2_4:
0x21: {  	s20 =	sadd.s32 s9, s20  }
0x22: {  	s20 =	sshrl.u32 s20, $0x3  }
0x23: {  	s21 =	sadd.s32 s4, s20  }
0x24: {  	[tilespmem:s2], [sflag:$0x1] =	stream.linear.gather [hbm4b:s21+s2], $0x1F00, $0x38;
	[tilespmem:$0x19C40] =	vst v63  }
0x25: {  	_ =	swait.ge [sflag:s13], $0x1F00  }
0x26: {  	[sflag:s13] =	ssyncset.done $0x0  }
0x27: {  	s23 =	sadd.s32 s5, s20;
	[sflag:s13] =	ssyncadd.s32 $0xFFFFE100  }
0x28: {  	[tilespmem:s14], [sflag:$0x1] =	stream.linear.gather [hbm4b:s23+s2], $0x1F00, $0x38;
	[tilespmem:$0x19C40] =	vst v63  }
0x29: {  	_ =	swait.ge [sflag:s13], $0x1F00  }
0x2a: {  	[sflag:s13] =	ssyncset.done $0x0  }
0x2b: {  	s24 =	sadd.s32 s6, s20;
	[sflag:s13] =	ssyncadd.s32 $0xFFFFE100  }
0x2c: {  	[tilespmem:s15], [sflag:$0x1] =	stream.linear.gather [hbm4b:s24+s2], $0x1F00, $0x38;
	[tilespmem:$0x19C40] =	vst v63  }
0x2d: {  	_ =	swait.ge [sflag:s13], $0x1F00  }
0x2e: {  	[sflag:s13] =	ssyncset.done $0x0  }
0x2f: {  	s25 =	sadd.s32 s7, s20;
	[sflag:s13] =	ssyncadd.s32 $0xFFFFE100  }
0x30: {  	[tilespmem:s16], [sflag:$0x1] =	stream.linear.gather [hbm4b:s25+s2], $0x1F00, $0x38;
	[tilespmem:$0x19C40] =	vst v63  }
0x31: {  	_ =	swait.ge [sflag:s13], $0x1F00  }
0x32: {  	[sflag:s13] =	ssyncset.done $0x0  }
0x33: {  	s20 =	sadd.s32 s8, s20;
	[sflag:s13] =	ssyncadd.s32 $0xFFFFE100  }
0x34: {  	[tilespmem:s17], [sflag:$0x1] =	stream.linear.gather [hbm4b:s20+s2], $0x1F00, $0x38;
	[tilespmem:$0x19C40] =	vst v63  }
0x35: {  	_ =	swait.ge [sflag:s13], $0x1F00  }
0x36: {  	[sflag:s13] =	ssyncset.done $0x0  }
0x37: {  	s26 =	simm.s32 $0x20;
	[sflag:s13] =	ssyncadd.s32 $0xFFFFE100  }
0x38: {  	v2 =	vld [tilespmem:s26+$0x10];
	_ =	sdelay $0x2  }
0x39: {  	v4 =	vld [tilespmem:s26+$0xFFFFFFE0]  }
0x3a: {  	v3 =	vld [tilespmem:s26+$0xFFFFFFF0]  }
0x3b: {  	v7 =	vld [tilespmem:s26+$0x0];
	v5 =	vshra.s32 v2, $0xE  }
0x3c: {  	v5 =	vand.u32 $0xFFFFFFF8, v5;
	_ =	sdelay $0x1  }
0x3d: {  	v8 =	vshra.s32 v4, $0xE;
	v9 =	vshrl.u32 v2, $0x10  }
0x3e: {  	s28 =	simm.s32 $0x1F20;
	v8 =	vand.u32 $0xFFFFFFF8, v8;
	v9 =	vand.u32 $0x1, v9  }
0x3f: {  	v10 =	vld [tilespmem:s28+$0x10];
	v6 =	vshra.s32 v3, $0xE;
	vm0 =	veq.s32 v9, v0;
	v9 =	vshra.s32 v7, $0xE  }
0x40: {  	v2 =	vand.u32 $0xFFFF, v2;
	v12 =	vshrl.u32 v3, $0x10;
	v9 =	vand.u32 $0xFFFFFFF8, v9;
	v5 =	vld.idx.msk [tilespmem:v5+s12+$0x0], $0xffff  }
0x41: {  	v13 =	vld [tilespmem:s28+$0xFFFFFFE0];
	v11 =	vshrl.u32 v4, $0x10;
	v6 =	vand.u32 $0xFFFFFFF8, v6;
	v12 =	vand.u32 $0x1, v12  }
0x42: {  	v14 =	vld [tilespmem:s28+$0xFFFFFFF0];
	vm1 =	veq.s32 v12, v0;
	v12 =	vand.u32 $0xFFFF, v4;
	v4 =	vshrl.u32 v7, $0x10  }
0x43: {  	v11 =	vand.u32 $0x1, v11;
	v4 =	vand.u32 $0x1, v4;
	v8 =	vld.idx.msk [tilespmem:v8+s12+$0x0], $0xffff  }
0x44: {  	vm3 =	veq.s32 v11, v0;
	vm2 =	veq.s32 v4, v0;
	v4 =	vld [tilespmem:s28+$0x0]  }
0x45: {  	v11 =	vld.idx.msk [tilespmem:v9+s12+$0x0], $0xffff;
	v10 =	vmul.f32 v10, v5  }
0x46: {  	vm2 =	vmmov vm2;
	v6 =	vld.idx.msk [tilespmem:v6+s12+$0x0], $0xffff  }
0x47: {  	s29 =	simm.s32 $0x3E20;
	v7 =	vand.u32 $0xFFFF, v7;
	[tilespmem:v2+s18+$0x0] =	vst.idx.add.f32.msk vm0, v10  }
0x48: {  	v9 =	vmul.f32 v13, v8;
	v10 =	vand.u32 $0xFFFF, v3;
	v3 =	vld [tilespmem:s29+$0x10];
	_ =	sdelay $0x1  }
0x49: {  	v13 =	vadd.s32 $0x1, v2;
	[tilespmem:v12+s18+$0x0] =	vst.idx.add.f32.msk vm3, v9;
	v4 =	vmul.f32 v4, v11  }
0x4a: {  	v14 =	vmul.f32 v14, v6;
	v9 =	vld [tilespmem:s29+$0xFFFFFFE0]  }
0x4b: {  	[tilespmem:v7+s18+$0x0] =	vst.idx.add.f32.msk vm2, v4  }
0x4c: {  	[tilespmem:v10+s18+$0x0] =	vst.idx.add.f32.msk vm1, v14;
	v3 =	vmul.f32 v3, v5  }
0x4d: {  	v4 =	vld [tilespmem:s29+$0xFFFFFFF0]  }
0x4e: {  	s30 =	simm.s32 $0x5D20;
	[tilespmem:v13+s18+$0x0] =	vst.idx.add.f32.msk vm0, v3;
	v3 =	vadd.s32 $0x1, v12  }
0x4f: {  	v16 =	vadd.s32 $0x1, v10;
	v13 =	vld [tilespmem:s30+$0x10]  }
0x50: {  	s20 =	simm.s32 $0x1F60  }
0x51: {  	v21 =	vld [tilespmem:s20+$0x10];
	v14 =	vadd.s32 $0x2, v2;
	v9 =	vmul.f32 v9, v8  }
0x52: {  	v15 =	vld [tilespmem:s29+$0x0];
	v4 =	vmul.f32 v4, v6  }
0x53: {  	[tilespmem:v3+s18+$0x0] =	vst.idx.add.f32.msk vm3, v9  }
0x54: {  	s31 =	simm.s32 $0x60;
	v17 =	vadd.s32 $0x1, v7;
	[tilespmem:v16+s18+$0x0] =	vst.idx.add.f32.msk vm1, v4;
	v3 =	vmul.f32 v13, v5  }
0x55: {  	v4 =	vld [tilespmem:s31+$0x10]  }
0x56: {  	s22 =	simm.s32 $0x7C20;
	[tilespmem:v14+s18+$0x0] =	vst.idx.add.f32.msk vm0, v3  }
0x57: {  	v3 =	vmul.f32 v15, v11;
	v13 =	vld [tilespmem:s22+$0x10]  }
0x58: {  	v9 =	vld [tilespmem:s30+$0xFFFFFFE0]  }
0x59: {  	v2 =	vadd.s32 $0x3, v2;
	[tilespmem:v17+s18+$0x0] =	vst.idx.add.f32.msk vm2, v3  }
0x5a: {  	vm3 =	vmmov vm3;
	v3 =	vld [tilespmem:s30+$0xFFFFFFF0]  }
0x5b: {  	v14 =	vadd.s32 $0x2, v12;
	v15 =	vld [tilespmem:s31+$0xFFFFFFF0]  }
0x5c: {  	v16 =	vadd.s32 $0x2, v10;
	v17 =	vld [tilespmem:s31+$0xFFFFFFE0];
	v5 =	vmul.f32 v13, v5  }
0x5d: {  	v13 =	vld [tilespmem:s31+$0x0]  }
0x5e: {  	v9 =	vmul.f32 v9, v8;
	[tilespmem:v2+s18+$0x0] =	vst.idx.add.f32.msk vm0, v5;
	v2 =	vshra.s32 v4, $0xE  }
0x5f: {  	v24 =	vld [tilespmem:s20+$0xFFFFFFE0];
	v3 =	vmul.f32 v3, v6;
	v2 =	vand.u32 $0xFFFFFFF8, v2  }
0x60: {  	[tilespmem:v14+s18+$0x0] =	vst.idx.add.f32.msk vm3, v9;
	v5 =	vshra.s32 v15, $0xE  }
0x61: {  	v9 =	vand.u32 $0xFFFFFFF8, v5;
	[tilespmem:v16+s18+$0x0] =	vst.idx.add.f32.msk vm1, v3;
	v3 =	vshra.s32 v17, $0xE  }
0x62: {  	v58 =	vld [tilespmem:s20+$0xFFFFFFF0];
	v20 =	vand.u32 $0xFFFFFFF8, v3;
	v5 =	vshra.s32 v13, $0xE  }
0x63: {  	v18 =	vld [tilespmem:s30+$0x0];
	v3 =	vshrl.u32 v4, $0x10;
	v14 =	vand.u32 $0xFFFFFFF8, v5  }
0x64: {  	v5 =	vld.idx.msk [tilespmem:v2+s12+$0x0], $0xffff;
	v2 =	vand.u32 $0x1, v3  }
0x65: {  	vm4 =	vmmov vm1;
	v23 =	vshrl.u32 v17, $0x10;
	v16 =	vld [tilespmem:s22+$0xFFFFFFE0];
	vm1 =	veq.s32 v2, v0  }
0x66: {  	v22 =	vand.u32 $0xFFFF, v4;
	v23 =	vand.u32 $0x1, v23;
	v3 =	vld.idx.msk [tilespmem:v9+s12+$0x0], $0xffff  }
0x67: {  	vm7 =	veq.s32 v23, v0;
	v4 =	vld.idx.msk [tilespmem:v20+s12+$0x0], $0xffff  }
0x68: {  	v57 =	vshrl.u32 v13, $0x10;
	v9 =	vadd.s32 $0x2, v7;
	v2 =	vld.idx.msk [tilespmem:v14+s12+$0x0], $0xffff;
	v14 =	vshrl.u32 v15, $0x10  }
0x69: {  	v19 =	vld [tilespmem:s22+$0xFFFFFFF0];
	v20 =	vand.u32 $0x1, v57;
	v14 =	vand.u32 $0x1, v14;
	v21 =	vmul.f32 v21, v5  }
0x6a: {  	v17 =	vand.u32 $0xFFFF, v17;
	vm0 =	veq.s32 v20, v0;
	vm6 =	veq.s32 v14, v0;
	v14 =	vld [tilespmem:s20+$0x0]  }
0x6b: {  	s21 =	simm.s32 $0x3E60;
	v18 =	vmul.f32 v18, v11;
	v15 =	vand.u32 $0xFFFF, v15;
	vm0 =	vmmov vm0;
	[tilespmem:v22+s18+$0x0] =	vst.idx.add.f32.msk vm1, v21  }
0x6c: {  	v59 =	vand.u32 $0xFFFF, v13;
	v13 =	vld [tilespmem:s21+$0x10]  }
0x6d: {  	[tilespmem:v9+s18+$0x0] =	vst.idx.add.f32.msk vm2, v18;
	v60 =	vmul.f32 v24, v4  }
0x6e: {  	v9 =	vmul.f32 v58, v3;
	v18 =	vadd.s32 $0x1, v22;
	v61 =	vld [tilespmem:s22+$0x0]  }
0x6f: {  	[tilespmem:v17+s18+$0x0] =	vst.idx.add.f32.msk vm7, v60;
	v14 =	vmul.f32 v14, v2  }
0x70: {  	v12 =	vadd.s32 $0x3, v12;
	[tilespmem:v15+s18+$0x0] =	vst.idx.add.f32.msk vm6, v9  }
0x71: {  	[tilespmem:v59+s18+$0x0] =	vst.idx.add.f32.msk vm0, v14;
	v9 =	vmul.f32 v13, v5  }
0x72: {  	v10 =	vadd.s32 $0x3, v10;
	v13 =	vld [tilespmem:s21+$0xFFFFFFE0]  }
0x73: {  	v8 =	vmul.f32 v16, v8;
	s22 =	simm.s32 $0x5D60;
	[tilespmem:v18+s18+$0x0] =	vst.idx.add.f32.msk vm1, v9  }
0x74: {  	v9 =	vadd.s32 $0x1, v17;
	v14 =	vld [tilespmem:s22+$0x10]  }
0x75: {  	v6 =	vmul.f32 v19, v6;
	[tilespmem:v12+s18+$0x0] =	vst.idx.add.f32.msk vm3, v8  }
0x76: {  	v19 =	vadd.s32 $0x2, v22;
	v16 =	vld [tilespmem:s21+$0xFFFFFFF0]  }
0x77: {  	[tilespmem:v10+s18+$0x0] =	vst.idx.add.f32.msk vm4, v6;
	v13 =	vmul.f32 v13, v4  }
0x78: {  	v62 =	vadd.s32 $0x1, v15;
	v18 =	vld [tilespmem:s21+$0x0]  }
0x79: {  	[tilespmem:v9+s18+$0x0] =	vst.idx.add.f32.msk vm7, v13;
	v8 =	vmul.f32 v14, v5  }
0x7a: {  	vm5 =	vmmov vm2;
	v63 =	vadd.s32 $0x1, v59;
	v25 =	vld [tilespmem:s22+$0xFFFFFFE0]  }
0x7b: {  	s23 =	simm.s32 $0x7C60;
	v6 =	vadd.s32 $0x3, v7;
	v7 =	vadd.s32 $0x3, v17;
	v16 =	vmul.f32 v16, v3;
	[tilespmem:v19+s18+$0x0] =	vst.idx.add.f32.msk vm1, v8  }
0x7c: {  	v10 =	vadd.s32 $0x3, v59;
	v12 =	vadd.s32 $0x2, v15;
	vm4 =	vmmov vm0;
	v14 =	vld [tilespmem:s23+$0x10]  }
0x7d: {  	vm2 =	vmmov vm7;
	vm3 =	vmmov vm6;
	[tilespmem:v62+s18+$0x0] =	vst.idx.add.f32.msk vm6, v16;
	v18 =	vmul.f32 v18, v2  }
0x7e: {  	v13 =	vadd.s32 $0x2, v17;
	v17 =	vld [tilespmem:s22+$0xFFFFFFF0];
	v8 =	vadd.s32 $0x3, v15;
	v15 =	vadd.s32 $0x3, v22  }
0x7f: {  	p1 =	por p0, p0;
	s24 =	simm.s32 $0x4;
	s25 =	simm.s32 $0xA0;
	v11 =	vmul.f32 v61, v11;
	v9 =	vadd.s32 $0x2, v59;
	[tilespmem:v63+s18+$0x0] =	vst.idx.add.f32.msk vm0, v18;
	v16 =	vmul.f32 v25, v4  }
.LBB2_5:
0x80: {  	v18 =	vld [tilespmem:s25+$0x10];
	s24 =	sadd.s32 $0x4, s24  }
0x81: {  	v19 =	vld [tilespmem:s25+$0xFFFFFFF0];
	p0 =	slt.u32 s24, $0x1EC;
	v5 =	vmul.f32 v14, v5  }
0x82: {  	v14 =	vld [tilespmem:s25+$0x0]  }
0x83: {  	[tilespmem:v15+s18+$0x0] =	vst.idx.add.f32.msk vm1, v5  }
0x84: {  	v5 =	vld [tilespmem:s25+$0xFFFFFFE0];
	v15 =	vmul.f32 v17, v3  }
0x85: {  	v17 =	vshra.s32 v18, $0xE;
	v20 =	vld [tilespmem:s22+$0x0]  }
0x86: {  	v21 =	vshrl.u32 v19, $0x10;
	v22 =	vshra.s32 v19, $0xE;
	v17 =	vand.u32 $0xFFFFFFF8, v17;
	[tilespmem:v13+s18+$0x0] =	vst.idx.add.f32.msk vm2, v16  }
0x87: {  	v13 =	vand.u32 $0xFFFFFFF8, v22;
	v16 =	vshrl.u32 v14, $0x10;
	v22 =	vshra.s32 v14, $0xE;
	[tilespmem:v12+s18+$0x0] =	vst.idx.add.f32.msk vm3, v15  }
0x88: {  	v12 =	vand.u32 $0x1, v21;
	v15 =	vand.u32 $0x1, v16;
	v16 =	vand.u32 $0xFFFFFFF8, v22;
	v21 =	vld [tilespmem:s23+$0xFFFFFFE0]  }
0x89: {  	vm6 =	veq.s32 v12, v0;
	v22 =	vshrl.u32 v5, $0x10;
	v23 =	vshra.s32 v5, $0xE;
	v24 =	vld [tilespmem:s23+$0xFFFFFFF0]  }
0x8a: {  	vm8 =	veq.s32 v15, v0;
	v12 =	vand.u32 $0x1, v22;
	v22 =	vand.u32 $0xFFFFFFF8, v23;
	[tilespmem:v6+s18+$0x0] =	vst.idx.add.f32.msk vm5, v11;
	v6 =	vmovc v10  }
0x8b: {  	s20 =	sadd.s32 $0x40, s20;
	v11 =	vand.u32 $0xFFFF, v5;
	v10 =	vshrl.u32 v18, $0x10;
	vm7 =	veq.s32 v12, v0;
	v5 =	vld.idx.msk [tilespmem:v17+s12+$0x0], $0xffff  }
0x8c: {  	v14 =	vand.u32 $0xFFFF, v14;
	v15 =	vand.u32 $0xFFFF, v19;
	v10 =	vand.u32 $0x1, v10;
	v17 =	vld [tilespmem:s20+$0x10]  }
0x8d: {  	v25 =	vadd.s32 $0x1, v15;
	v19 =	vadd.s32 $0x1, v11;
	vm1 =	veq.s32 v10, v0;
	v23 =	vld.idx.msk [tilespmem:v13+s12+$0x0], $0xffff  }
0x8e: {  	v26 =	vadd.s32 $0x1, v14;
	v18 =	vand.u32 $0xFFFF, v18;
	v20 =	vmul.f32 v20, v2;
	v16 =	vld.idx.msk [tilespmem:v16+s12+$0x0], $0xffff  }
0x8f: {  	v27 =	vadd.s32 $0x2, v14;
	v12 =	vadd.s32 $0x2, v15;
	v13 =	vadd.s32 $0x2, v11;
	v22 =	vld.idx.msk [tilespmem:v22+s12+$0x0], $0xffff  }
0x90: {  	v29 =	vadd.s32 $0x3, v11;
	v21 =	vmul.f32 v21, v4;
	v24 =	vmul.f32 v24, v3;
	v28 =	vld [tilespmem:s20+$0xFFFFFFE0]  }
0x91: {  	v31 =	vadd.s32 $0x3, v15;
	v10 =	vadd.s32 $0x3, v14;
	v30 =	vld [tilespmem:s20+$0xFFFFFFF0];
	v4 =	vmul.f32 v17, v5  }
0x92: {  	vm5 =	vmmov vm0;
	vm0 =	vmmov vm8;
	v17 =	vld [tilespmem:s20+$0x0]  }
0x93: {  	s21 =	sadd.s32 $0x40, s21;
	v3 =	vmov v23;
	[tilespmem:v18+s18+$0x0] =	vst.idx.add.f32.msk vm1, v4  }
0x94: {  	v23 =	vld [tilespmem:s21+$0x10]  }
0x95: {  	v28 =	vmul.f32 v28, v22;
	[tilespmem:v9+s18+$0x0] =	vst.idx.add.f32.msk vm4, v20;
	v4 =	vmovc v22;
	v9 =	vmov v27;
	vm4 =	vmmov vm8  }
0x96: {  	v22 =	vadd.s32 $0x1, v18;
	v20 =	vmul.f32 v30, v3;
	v27 =	vld [tilespmem:s23+$0x0]  }
0x97: {  	[tilespmem:v11+s18+$0x0] =	vst.idx.add.f32.msk vm7, v28;
	v11 =	vmul.f32 v17, v16  }
0x98: {  	[tilespmem:v15+s18+$0x0] =	vst.idx.add.f32.msk vm6, v20  }
0x99: {  	[tilespmem:v14+s18+$0x0] =	vst.idx.add.f32.msk vm8, v11;
	v11 =	vmul.f32 v23, v5  }
0x9a: {  	v14 =	vld [tilespmem:s21+$0xFFFFFFE0]  }
0x9b: {  	s22 =	sadd.s32 $0x40, s22;
	[tilespmem:v22+s18+$0x0] =	vst.idx.add.f32.msk vm1, v11;
	v11 =	vmul.f32 v27, v2;
	v2 =	vmov v16  }
0x9c: {  	v15 =	vld [tilespmem:s22+$0x10]  }
0x9d: {  	v16 =	vld [tilespmem:s21+$0xFFFFFFF0]  }
0x9e: {  	v20 =	vadd.s32 $0x2, v18;
	v17 =	vld [tilespmem:s21+$0x0]  }
0x9f: {  	v14 =	vmul.f32 v14, v4;
	[tilespmem:v7+s18+$0x0] =	vst.idx.add.f32.msk vm2, v21;
	v7 =	vmov v29;
	vm2 =	vmmov vm7  }
0xa0: {  	[tilespmem:v8+s18+$0x0] =	vst.idx.add.f32.msk vm3, v24;
	v8 =	vmov v31;
	vm3 =	vmmov vm6  }
0xa1: {  	[tilespmem:v19+s18+$0x0] =	vst.idx.add.f32.msk vm7, v14;
	v14 =	vmul.f32 v15, v5  }
0xa2: {  	v19 =	vld [tilespmem:s22+$0xFFFFFFE0];
	v15 =	vmul.f32 v16, v3  }
.Ltmp1:
0xa3: {  	s23 =	sadd.s32 $0x40, s23;
	v16 =	vmul.f32 v17, v2;
	[tilespmem:v20+s18+$0x0] =	vst.idx.add.f32.msk vm1, v14;
	(pc) =	sbr.rel @p0 .LBB2_5-.Ltmp1, $4  }
0xa4: {  	v14 =	vld [tilespmem:s23+$0x10]  }
0xa5: {  	[tilespmem:v25+s18+$0x0] =	vst.idx.add.f32.msk vm6, v15  }
0xa6: {  	v15 =	vadd.s32 $0x3, v18;
	[tilespmem:v26+s18+$0x0] =	vst.idx.add.f32.msk vm0, v16  }
0xa7: {  	s25 =	sadd.s32 $0x40, s25;
	v16 =	vmul.f32 v19, v4;
	v17 =	vld [tilespmem:s22+$0xFFFFFFF0]  }
0xa8: {  	_ =	sdelay $0x1  }
0xa9: {  	v18 =	vld [tilespmem:s22+$0x0];
	_ =	sdelay $0x2  }
0xaa: {  	[tilespmem:v13+s18+$0x0] =	vst.idx.add.f32.msk vm2, v16;
	v17 =	vmul.f32 v17, v3  }
0xab: {  	v61 =	vld [tilespmem:s23+$0xFFFFFFE0]  }
0xac: {  	v62 =	vmul.f32 v18, v2;
	[tilespmem:v12+s18+$0x0] =	vst.idx.add.f32.msk vm3, v17  }
0xad: {  	v63 =	vld [tilespmem:s23+$0xFFFFFFF0]  }
0xae: {  	[tilespmem:v9+s18+$0x0] =	vst.idx.add.f32.msk vm4, v62  }
0xaf: {  	v9 =	vld [tilespmem:s23+$0x0]  }
0xb0: {  	vm0 =	vmmov vm0  }
0xb1: {  	v5 =	vmul.f32 v14, v5  }
.Ltmp2:
0xb2: {  	[tilespmem:v6+s18+$0x0] =	vst.idx.add.f32.msk vm5, v11;
	v4 =	vmul.f32 v61, v4;
	(pc) =	sbr.rel @p1 .LBB2_4-.Ltmp2, $4  }
0xb3: {  	[tilespmem:v15+s18+$0x0] =	vst.idx.add.f32.msk vm1, v5;
	v3 =	vmul.f32 v63, v3  }
0xb4: {  	[tilespmem:v7+s18+$0x0] =	vst.idx.add.f32.msk vm2, v4;
	v2 =	vmul.f32 v9, v2  }
0xb5: {  	[tilespmem:v8+s18+$0x0] =	vst.idx.add.f32.msk vm3, v3  }
0xb6: {  	s20 =	simm.s32 $0x1F00;
	p0 =	por $0x0, $0x0;
	[tilespmem:v10+s18+$0x0] =	vst.idx.add.f32.msk vm0, v2  }
0xb7: {  	s19 =	sadd.s32 $0x1, s19  }
0xb8: {  	p0 =	sne.s32 s19, s11  }
.Ltmp3:
0xb9: {  	_ = 	snop;
	(pc) =	sbr.rel @p0 .LBB2_1-.Ltmp3, $4  }
0xba: {  	[hbm4b:s10+s2] =	stream.linear.scatter [tilespmem:s18], [sflag:$0x1], $0x10000, $0x38;
	[tilespmem:$0x19C40] =	vst v63  }
0xbb: {  	_ =	swait.ge [sflag:s13], $0x10000  }
0xbc: {  	[sflag:s13] =	ssyncset.done $0x0  }
0xbd: {  	[sflag:s13] =	ssyncadd.s32 $0xFFFF0000  }
0xbe: {  	_ =	sfence.sel $0x180000  }
0xbf: {  	[bflag:$0x0] =	sbarrier.arrive $0xFFFF  }
0xc0: {  	p0 =	sne.s32 s3, $0x0;
	_ =	strace $0x9000004A  }
0xc1: {  	s0 =	sadd.s32 @!p0 $0x100000, s0;
	[bflag:$0x2] =	sbarrier.arrive $0xFFFF  }
0xc2: {  	[sflag:s0] =	ssyncadd.tile.s32 @!p0 $0x1;
	_ =	shalt  }
.Lfunc_end2:
_tile_overlayer_lowered:
.L_overlay_start_2:
0xc3: {  	(tag) =	ssettag $0x2  }
0xc4: {  	s0 =	rddreg [dreg:$0x0];
	s2 =	stileid.u32  }
0xc5: {  	s1 =	rddreg [dreg:$0x1];
	p0 =	sne.s32 s2, $0x0  }
0xc6: {  	s3 =	rddreg [dreg:$0x2];
	[bflag:$0x3] =	sbarrier.arrive $0xFFFF;
	s2 =	simm.s32 @!p0 $0x1C01  }
0xc7: {  	[timem:s3], [sflag:s2] =	dma.local @!p0 [hbm:s0], s1  }
0xc8: {  	s0 =	simm.s32 @!p0 $0x1  }
0xc9: {  	_ =	swait.ge @!p0 [sflag:s0], s1  }
0xca: {  	s1 =	ssub.s32 @!p0 $0x0, s1;
	[sflag:s0] =	ssyncset.done @!p0 $0x0  }
0xcb: {  	[sflag:s0] =	ssyncadd.s32 @!p0 s1  }
0xcc: {  	[bflag:$0x3] =	sbarrier.arrive $0xFFFF  }
0xcd: {  	_ =	shalt  }

</sc_bundles>
